<compile_context>
chip_gen: v7x
topology: tpu7x:2x2x1
jax: 0.10.2.dev20260603
libtpu: 0.0.44.dev20260713+nightly
codegen_flags: <defaults>
</compile_context>

<pallas_src>
import functools

import jax
import jax.numpy as jnp
from jax import lax
from jax.experimental import pallas as pl
from jax.experimental.pallas import tpu as pltpu
from jax.experimental.pallas import tpu_sc as plsc

D_MODEL = 768
MAXLEN = 30
N_SEG = 2
VOCAB = 4
N_ROWS = VOCAB * N_SEG * MAXLEN
LN_EPS = 1e-5


def _table_body(tok_ref, seg_ref, pos_ref, w_ref, b_ref, out_ref):
    def onehot(div, mod, n):
        r = lax.broadcasted_iota(jnp.int32, (N_ROWS, n), 0)
        c = lax.broadcasted_iota(jnp.int32, (N_ROWS, n), 1)
        return ((r // div) % mod == c).astype(jnp.float32)

    ov = onehot(N_SEG * MAXLEN, VOCAB, VOCAB)
    os_ = onehot(MAXLEN, N_SEG, N_SEG)
    ot = onehot(1, MAXLEN, MAXLEN)
    hi = lax.Precision.HIGHEST
    pre = (
        jnp.dot(ov, tok_ref[...], preferred_element_type=jnp.float32, precision=hi)
        + jnp.dot(os_, seg_ref[...], preferred_element_type=jnp.float32, precision=hi)
        + jnp.dot(ot, pos_ref[...], preferred_element_type=jnp.float32, precision=hi)
    )
    mu = jnp.mean(pre, axis=1, keepdims=True)
    var = jnp.mean(jnp.square(pre - mu), axis=1, keepdims=True)
    out_ref[...] = (pre - mu) * lax.rsqrt(var + LN_EPS) * w_ref[...] + b_ref[...]


N_REP = 32


def _build_table(tok_table, seg_table, pos_embed, ln_w, ln_b):
    return pl.pallas_call(
        _table_body,
        grid=(N_REP,),
        in_specs=[pl.BlockSpec(s, lambda r: (0,) * len(s)) for s in
                  [(VOCAB, D_MODEL), (N_SEG, D_MODEL), (MAXLEN, D_MODEL),
                   (1, D_MODEL), (1, D_MODEL)]],
        out_specs=pl.BlockSpec((N_ROWS, D_MODEL), lambda r: (r, 0)),
        out_shape=jax.ShapeDtypeStruct((N_REP * N_ROWS, D_MODEL), jnp.float32),
    )(tok_table, seg_table, pos_embed, ln_w.reshape(1, -1), ln_b.reshape(1, -1))


def _build_idx(x, seq, rows_per_worker):
    b = x.shape[0]
    blk = 2048

    def body(x_ref, seq_ref, out_ref):
        t = lax.broadcasted_iota(jnp.int32, x_ref.shape, 1)
        row = lax.broadcasted_iota(jnp.int32, x_ref.shape, 0) + pl.program_id(0) * blk
        rep_off = (row // rows_per_worker) * N_ROWS
        out_ref[...] = (x_ref[...] * N_SEG + seq_ref[...]) * MAXLEN + t + rep_off

    return pl.pallas_call(
        body,
        grid=(b // blk,),
        in_specs=[
            pl.BlockSpec((blk, MAXLEN), lambda i: (i, 0)),
            pl.BlockSpec((blk, MAXLEN), lambda i: (i, 0)),
        ],
        out_specs=pl.BlockSpec((blk, MAXLEN), lambda i: (i, 0)),
        out_shape=jax.ShapeDtypeStruct((b, MAXLEN), jnp.int32),
    )(x, seq)


def _make_sc_gather(n_tokens):
    info = plsc.get_sparse_core_info()
    nc, ns = info.num_cores, info.num_subcores
    nw = nc * ns
    assert n_tokens % nw == 0
    t_per_w = n_tokens // nw
    chunk = 48
    nbuf = 2
    assert t_per_w % (chunk * nbuf) == 0
    n_chunks = t_per_w // chunk

    mesh = plsc.VectorSubcoreMesh(core_axis_name="c", subcore_axis_name="s")

    @functools.partial(
        pl.kernel,
        mesh=mesh,
        out_type=jax.ShapeDtypeStruct((n_tokens, D_MODEL), jnp.float32),
        scratch_types=[
            pltpu.VMEM((t_per_w,), jnp.int32),
            *[pltpu.VMEM((chunk, D_MODEL), jnp.float32) for _ in range(nbuf)],
            *[pltpu.SemaphoreType.DMA for _ in range(2 * nbuf)],
        ],
    )
    def gather_kernel(idx_hbm, table_hbm, out_hbm, idx_v, *bufs_sems):
        rows = bufs_sems[:nbuf]
        gsems = bufs_sems[nbuf : 2 * nbuf]
        ssems = bufs_sems[2 * nbuf :]
        wid = lax.axis_index("s") * nc + lax.axis_index("c")
        base = wid * t_per_w
        pltpu.sync_copy(idx_hbm.at[pl.ds(base, t_per_w)], idx_v)

        def start_gather(b, ci):
            pltpu.async_copy(
                table_hbm.at[idx_v.at[pl.ds(ci * chunk, chunk)]], rows[b], gsems[b]
            )

        def wait_gather(b):
            pltpu.make_async_copy(
                table_hbm.at[idx_v.at[pl.ds(0, chunk)]], rows[b], gsems[b]
            ).wait()

        def start_store(b, ci):
            pltpu.async_copy(
                rows[b], out_hbm.at[pl.ds(base + ci * chunk, chunk)], ssems[b]
            )

        def wait_store(b):
            pltpu.make_async_copy(
                rows[b], out_hbm.at[pl.ds(base, chunk)], ssems[b]
            ).wait()

        for b in range(nbuf - 1):
            start_gather(b, b)

        def body(g, carry):
            for b in range(nbuf):
                ci = g * nbuf + b
                wait_gather(b)
                start_store(b, ci)
                bn = (b + nbuf - 1) % nbuf

                @pl.when(ci >= 1)
                def _():
                    wait_store(bn)

                @pl.when(ci + nbuf - 1 < n_chunks)
                def _():
                    start_gather(bn, ci + nbuf - 1)
            return carry

        lax.fori_loop(0, n_chunks // nbuf, body, 0)
        wait_store((n_chunks - 1) % nbuf)

    return gather_kernel


def kernel(x, seq, tok_table, seg_table, pos_embed, ln_w, ln_b):
    b = x.shape[0]
    n_tokens = b * MAXLEN
    info = plsc.get_sparse_core_info()
    nw = info.num_cores * info.num_subcores
    assert N_REP == nw and b % nw == 0
    table = _build_table(tok_table, seg_table, pos_embed, ln_w, ln_b)
    idx = _build_idx(x, seq, b // nw).reshape(n_tokens)
    out = _make_sc_gather(n_tokens)(idx, table)
    return out.reshape(b, MAXLEN, D_MODEL)

# --- scband reference (transcript-rebuilt; emitter-appended) ---
"""Pipeline reference for scband-bert-embedding-3908420239769 (READ-ONLY COPY).

The authoritative reference and input builder live on the scoring server;
editing this copy changes nothing except your own understanding.
"""

import jax, jax.numpy as jnp
import numpy as np

d_model = 768
maxlen = 30
n_segments = 2
vocab_size = 4
B = 16384


def _make_pos_embed():
    pos = np.arange(maxlen, dtype=np.float64)[:, None]
    i = np.arange(d_model, dtype=np.float64)[None, :]
    angle = pos / np.power(10000.0, (np.floor(i / 2.0) * 2.0) / d_model)
    pe = angle.copy()
    pe[:, 0::2] = np.sin(angle[:, 0::2])
    pe[:, 1::2] = np.cos(angle[:, 1::2])
    return jnp.asarray(pe, dtype=jnp.float32)


def setup_inputs(seed: int = 0) -> dict:
    key = jax.random.key(seed)
    k1, k2, k3, k4 = jax.random.split(key, 4)
    x = jax.random.randint(k1, (B, maxlen), 0, vocab_size, dtype=jnp.int64 if jax.config.jax_enable_x64 else jnp.int32)
    seq = jax.random.randint(k2, (B, maxlen), 0, n_segments, dtype=jnp.int64 if jax.config.jax_enable_x64 else jnp.int32)
    tok_table = jax.random.normal(k3, (vocab_size, d_model), dtype=jnp.float32)
    seg_table = jax.random.normal(k4, (n_segments, d_model), dtype=jnp.float32)
    pos_embed = _make_pos_embed()
    ln_w = jnp.ones((d_model,), dtype=jnp.float32)
    ln_b = jnp.zeros((d_model,), dtype=jnp.float32)
    return {"x": x, "seq": seq, "tok_table": tok_table, "seg_table": seg_table, "pos_embed": pos_embed, "ln_w": ln_w, "ln_b": ln_b}


def _layernorm(h, w, b, eps=1e-5):
    mu = jnp.mean(h, axis=-1, keepdims=True)
    var = jnp.mean(jnp.square(h - mu), axis=-1, keepdims=True)
    return (h - mu) / jnp.sqrt(var + eps) * w + b


def reference(x, seq, tok_table, seg_table, pos_embed, ln_w, ln_b):
    # tok_embed(x) + pos_embed (broadcast over batch) + seg_embed(seq)
    tok = jnp.take(tok_table, x, axis=0)        # [B, maxlen, d_model]
    seg = jnp.take(seg_table, seq, axis=0)      # [B, maxlen, d_model]
    input_embedding = tok + pos_embed[None, :, :] + seg
    return _layernorm(input_embedding, ln_w, ln_b)

if __name__ == "__main__":
    import jax
    _d = setup_inputs()
    print(jax.jit(kernel)(*tuple(_d.values())))

</pallas_src>

<mosaic_0001>
#map = affine_map<(d0, d1) -> (0)>
#map1 = affine_map<(d0, d1) -> (0, 0)>
module attributes {stable_mosaic.version = 14 : i64} {
  func.func @gather_kernel(%arg0: i32, %arg1: i32, %arg2: memref<491520xi32, #tpu.memory_space<hbm>>, %arg3: memref<7680x768xf32, #tpu.memory_space<hbm>>, %arg4: memref<491520x768xf32, #tpu.memory_space<hbm>>, %arg5: memref<15360xi32, #tpu.memory_space<vmem>>, %arg6: memref<48x768xf32, #tpu.memory_space<vmem>>, %arg7: memref<48x768xf32, #tpu.memory_space<vmem>>, %arg8: memref<!tpu.dma_semaphore, #tpu.memory_space<semaphore_mem>>, %arg9: memref<!tpu.dma_semaphore, #tpu.memory_space<semaphore_mem>>, %arg10: memref<!tpu.dma_semaphore, #tpu.memory_space<semaphore_mem>>, %arg11: memref<!tpu.dma_semaphore, #tpu.memory_space<semaphore_mem>>) attributes {dimension_semantics = [#tpu.dimension_semantics<core_parallel>, #tpu.dimension_semantics<subcore_parallel>], iteration_bounds = array<i64: 2, 16>, scalar_prefetch = 0 : i64, scratch_operands = 7 : i64, tpu.core_type = #tpu.core_type<sc_vector_subcore>, window_params = [{transform_indices = #map}, {transform_indices = #map1}, {transform_indices = #map1}]} {
    %mul3A = arith.constant 2 : i32
    %mul3A_0 = arith.muli %arg1, %mul3A : i32
    %add3A = arith.addi %mul3A_0, %arg0 : i32
    %mul3A_1 = arith.constant 15360 : i32
    %mul3A_2 = arith.muli %add3A, %mul3A_1 : i32
    "tpu.region"() ({
      %run_scoped3A = tpu.sem_alloc : memref<!tpu.dma_semaphore, #tpu.memory_space<semaphore_mem>>
      %dma_start3A_15 = tpu.memref_slice %arg2[%mul3A_2] : memref<491520xi32, #tpu.memory_space<hbm>> -> memref<15360xi32, #tpu.memory_space<hbm>>
      %dma_start3A_16 = tpu.memref_slice %arg2[%mul3A_2] : memref<491520xi32, #tpu.memory_space<hbm>> -> memref<15360xi32, #tpu.memory_space<hbm>>
      tpu.enqueue_dma source(%dma_start3A_16 : memref<15360xi32, #tpu.memory_space<hbm>>) target(%arg5 : memref<15360xi32, #tpu.memory_space<vmem>>) target_semaphore(%run_scoped3A : memref<!tpu.dma_semaphore, #tpu.memory_space<semaphore_mem>>)
      %dma_wait3A_17 = tpu.memref_slice %arg2[%mul3A_2] : memref<491520xi32, #tpu.memory_space<hbm>> -> memref<15360xi32, #tpu.memory_space<hbm>>
      %dma_wait3A_18 = tpu.memref_slice %arg2[%mul3A_2] : memref<491520xi32, #tpu.memory_space<hbm>> -> memref<15360xi32, #tpu.memory_space<hbm>>
      tpu.wait_dma2 semaphore(%run_scoped3A : memref<!tpu.dma_semaphore, #tpu.memory_space<semaphore_mem>>) src(%dma_wait3A_18 : memref<15360xi32, #tpu.memory_space<hbm>>) dst(%arg5 : memref<15360xi32, #tpu.memory_space<vmem>>)
      tpu.yield
    }) : () -> ()
    %dma_start3A = arith.constant 0 : i32
    %dma_start3A_3 = tpu.memref_slice %arg5[%dma_start3A] : memref<15360xi32, #tpu.memory_space<vmem>> -> memref<48xi32, #tpu.memory_space<vmem>>
    %dma_start3A_4 = arith.constant 0 : i32
    %dma_start3A_5 = arith.constant 0 : i32
    %dma_start3A_6 = tpu.memref_slice %arg3[%dma_start3A_4, %dma_start3A_5] : memref<7680x768xf32, #tpu.memory_space<hbm>> -> memref<7680x768xf32, #tpu.memory_space<hbm>>
    tpu.enqueue_indirect_dma source(%dma_start3A_6 : memref<7680x768xf32, #tpu.memory_space<hbm>>) target(%arg6 : memref<48x768xf32, #tpu.memory_space<vmem>>) offsets(%dma_start3A_3 : memref<48xi32, #tpu.memory_space<vmem>>) semaphore(%arg8 : memref<!tpu.dma_semaphore, #tpu.memory_space<semaphore_mem>>)
    %scan3A = arith.constant 0 : i32
    %scan3A_7 = arith.constant 0 : i32
    %scan3A_8 = arith.constant 160 : i32
    %scan3A_9 = arith.addi %scan3A_7, %scan3A_8 : i32
    %scan3A_10 = arith.constant 1 : i32
    scf.for %scan3A_15 = %scan3A_7 to %scan3A_9 step %scan3A_10  : i32 {
      %mul3A_16 = arith.constant 2 : i32
      %mul3A_17 = arith.muli %scan3A_15, %mul3A_16 : i32
      %add3A_18 = arith.constant 0 : i32
      %add3A_19 = arith.addi %mul3A_17, %add3A_18 : i32
      %dma_wait3A_20 = arith.constant 0 : i32
      %dma_wait3A_21 = tpu.memref_slice %arg5[%dma_wait3A_20] : memref<15360xi32, #tpu.memory_space<vmem>> -> memref<48xi32, #tpu.memory_space<vmem>>
      %dma_wait3A_22 = arith.constant 0 : i32
      %dma_wait3A_23 = arith.constant 0 : i32
      %dma_wait3A_24 = tpu.memref_slice %arg3[%dma_wait3A_22, %dma_wait3A_23] : memref<7680x768xf32, #tpu.memory_space<hbm>> -> memref<7680x768xf32, #tpu.memory_space<hbm>>
      tpu.wait_indirect_dma semaphore(%arg8 : memref<!tpu.dma_semaphore, #tpu.memory_space<semaphore_mem>>) src(%dma_wait3A_24 : memref<7680x768xf32, #tpu.memory_space<hbm>>) dst(%arg6 : memref<48x768xf32, #tpu.memory_space<vmem>>)
      %mul3A_25 = arith.constant 48 : i32
      %mul3A_26 = arith.muli %add3A_19, %mul3A_25 : i32
      %add3A_27 = arith.addi %mul3A_2, %mul3A_26 : i32
      %dma_start3A_28 = arith.constant 0 : i32
      %dma_start3A_29 = tpu.memref_slice %arg4[%add3A_27, %dma_start3A_28] : memref<491520x768xf32, #tpu.memory_space<hbm>> -> memref<48x768xf32, #tpu.memory_space<hbm>>
      %dma_start3A_30 = arith.constant 0 : i32
      %dma_start3A_31 = tpu.memref_slice %arg4[%add3A_27, %dma_start3A_30] : memref<491520x768xf32, #tpu.memory_space<hbm>> -> memref<48x768xf32, #tpu.memory_space<hbm>>
      tpu.enqueue_dma source(%arg6 : memref<48x768xf32, #tpu.memory_space<vmem>>) target(%dma_start3A_31 : memref<48x768xf32, #tpu.memory_space<hbm>>) target_semaphore(%arg10 : memref<!tpu.dma_semaphore, #tpu.memory_space<semaphore_mem>>)
      %ge3A = arith.constant 1 : i32
      %ge3A_32 = arith.cmpi sge, %add3A_19, %ge3A : i32
      %convert_element_type3A = arith.extui %ge3A_32 : i1 to i32
      %cond3A = arith.constant 0 : i32
      %cond3A_33 = arith.cmpi ne, %convert_element_type3A, %cond3A : i32
      scf.if %cond3A_33 {
        %dma_wait3A_71 = arith.constant 0 : i32
        %dma_wait3A_72 = tpu.memref_slice %arg4[%mul3A_2, %dma_wait3A_71] : memref<491520x768xf32, #tpu.memory_space<hbm>> -> memref<48x768xf32, #tpu.memory_space<hbm>>
        %dma_wait3A_73 = arith.constant 0 : i32
        %dma_wait3A_74 = tpu.memref_slice %arg4[%mul3A_2, %dma_wait3A_73] : memref<491520x768xf32, #tpu.memory_space<hbm>> -> memref<48x768xf32, #tpu.memory_space<hbm>>
        tpu.wait_dma2 semaphore(%arg11 : memref<!tpu.dma_semaphore, #tpu.memory_space<semaphore_mem>>) src(%arg7 : memref<48x768xf32, #tpu.memory_space<vmem>>) dst(%dma_wait3A_74 : memref<48x768xf32, #tpu.memory_space<hbm>>)
      } else {
      }
      %add3A_34 = arith.constant 2 : i32
      %add3A_35 = arith.addi %add3A_19, %add3A_34 : i32
      %sub3A = arith.constant 1 : i32
      %sub3A_36 = arith.subi %add3A_35, %sub3A : i32
      %lt3A = arith.constant 320 : i32
      %lt3A_37 = arith.cmpi slt, %sub3A_36, %lt3A : i32
      %convert_element_type3A_38 = arith.extui %lt3A_37 : i1 to i32
      %cond3A_39 = arith.constant 0 : i32
      %cond3A_40 = arith.cmpi ne, %convert_element_type3A_38, %cond3A_39 : i32
      scf.if %cond3A_40 {
        %add3A_71 = arith.constant 2 : i32
        %add3A_72 = arith.addi %add3A_19, %add3A_71 : i32
        %sub3A_73 = arith.constant 1 : i32
        %sub3A_74 = arith.subi %add3A_72, %sub3A_73 : i32
        %mul3A_75 = arith.constant 48 : i32
        %mul3A_76 = arith.muli %sub3A_74, %mul3A_75 : i32
        %dma_start3A_77 = tpu.memref_slice %arg5[%mul3A_76] : memref<15360xi32, #tpu.memory_space<vmem>> -> memref<48xi32, #tpu.memory_space<vmem>>
        %dma_start3A_78 = arith.constant 0 : i32
        %dma_start3A_79 = arith.constant 0 : i32
        %dma_start3A_80 = tpu.memref_slice %arg3[%dma_start3A_78, %dma_start3A_79] : memref<7680x768xf32, #tpu.memory_space<hbm>> -> memref<7680x768xf32, #tpu.memory_space<hbm>>
        tpu.enqueue_indirect_dma source(%dma_start3A_80 : memref<7680x768xf32, #tpu.memory_space<hbm>>) target(%arg7 : memref<48x768xf32, #tpu.memory_space<vmem>>) offsets(%dma_start3A_77 : memref<48xi32, #tpu.memory_space<vmem>>) semaphore(%arg9 : memref<!tpu.dma_semaphore, #tpu.memory_space<semaphore_mem>>)
      } else {
      }
      %mul3A_41 = arith.constant 2 : i32
      %mul3A_42 = arith.muli %scan3A_15, %mul3A_41 : i32
      %add3A_43 = arith.constant 1 : i32
      %add3A_44 = arith.addi %mul3A_42, %add3A_43 : i32
      %dma_wait3A_45 = arith.constant 0 : i32
      %dma_wait3A_46 = tpu.memref_slice %arg5[%dma_wait3A_45] : memref<15360xi32, #tpu.memory_space<vmem>> -> memref<48xi32, #tpu.memory_space<vmem>>
      %dma_wait3A_47 = arith.constant 0 : i32
      %dma_wait3A_48 = arith.constant 0 : i32
      %dma_wait3A_49 = tpu.memref_slice %arg3[%dma_wait3A_47, %dma_wait3A_48] : memref<7680x768xf32, #tpu.memory_space<hbm>> -> memref<7680x768xf32, #tpu.memory_space<hbm>>
      tpu.wait_indirect_dma semaphore(%arg9 : memref<!tpu.dma_semaphore, #tpu.memory_space<semaphore_mem>>) src(%dma_wait3A_49 : memref<7680x768xf32, #tpu.memory_space<hbm>>) dst(%arg7 : memref<48x768xf32, #tpu.memory_space<vmem>>)
      %mul3A_50 = arith.constant 48 : i32
      %mul3A_51 = arith.muli %add3A_44, %mul3A_50 : i32
      %add3A_52 = arith.addi %mul3A_2, %mul3A_51 : i32
      %dma_start3A_53 = arith.constant 0 : i32
      %dma_start3A_54 = tpu.memref_slice %arg4[%add3A_52, %dma_start3A_53] : memref<491520x768xf32, #tpu.memory_space<hbm>> -> memref<48x768xf32, #tpu.memory_space<hbm>>
      %dma_start3A_55 = arith.constant 0 : i32
      %dma_start3A_56 = tpu.memref_slice %arg4[%add3A_52, %dma_start3A_55] : memref<491520x768xf32, #tpu.memory_space<hbm>> -> memref<48x768xf32, #tpu.memory_space<hbm>>
      tpu.enqueue_dma source(%arg7 : memref<48x768xf32, #tpu.memory_space<vmem>>) target(%dma_start3A_56 : memref<48x768xf32, #tpu.memory_space<hbm>>) target_semaphore(%arg11 : memref<!tpu.dma_semaphore, #tpu.memory_space<semaphore_mem>>)
      %ge3A_57 = arith.constant 1 : i32
      %ge3A_58 = arith.cmpi sge, %add3A_44, %ge3A_57 : i32
      %convert_element_type3A_59 = arith.extui %ge3A_58 : i1 to i32
      %cond3A_60 = arith.constant 0 : i32
      %cond3A_61 = arith.cmpi ne, %convert_element_type3A_59, %cond3A_60 : i32
      scf.if %cond3A_61 {
        %dma_wait3A_71 = arith.constant 0 : i32
        %dma_wait3A_72 = tpu.memref_slice %arg4[%mul3A_2, %dma_wait3A_71] : memref<491520x768xf32, #tpu.memory_space<hbm>> -> memref<48x768xf32, #tpu.memory_space<hbm>>
        %dma_wait3A_73 = arith.constant 0 : i32
        %dma_wait3A_74 = tpu.memref_slice %arg4[%mul3A_2, %dma_wait3A_73] : memref<491520x768xf32, #tpu.memory_space<hbm>> -> memref<48x768xf32, #tpu.memory_space<hbm>>
        tpu.wait_dma2 semaphore(%arg10 : memref<!tpu.dma_semaphore, #tpu.memory_space<semaphore_mem>>) src(%arg6 : memref<48x768xf32, #tpu.memory_space<vmem>>) dst(%dma_wait3A_74 : memref<48x768xf32, #tpu.memory_space<hbm>>)
      } else {
      }
      %add3A_62 = arith.constant 2 : i32
      %add3A_63 = arith.addi %add3A_44, %add3A_62 : i32
      %sub3A_64 = arith.constant 1 : i32
      %sub3A_65 = arith.subi %add3A_63, %sub3A_64 : i32
      %lt3A_66 = arith.constant 320 : i32
      %lt3A_67 = arith.cmpi slt, %sub3A_65, %lt3A_66 : i32
      %convert_element_type3A_68 = arith.extui %lt3A_67 : i1 to i32
      %cond3A_69 = arith.constant 0 : i32
      %cond3A_70 = arith.cmpi ne, %convert_element_type3A_68, %cond3A_69 : i32
      scf.if %cond3A_70 {
        %add3A_71 = arith.constant 2 : i32
        %add3A_72 = arith.addi %add3A_44, %add3A_71 : i32
        %sub3A_73 = arith.constant 1 : i32
        %sub3A_74 = arith.subi %add3A_72, %sub3A_73 : i32
        %mul3A_75 = arith.constant 48 : i32
        %mul3A_76 = arith.muli %sub3A_74, %mul3A_75 : i32
        %dma_start3A_77 = tpu.memref_slice %arg5[%mul3A_76] : memref<15360xi32, #tpu.memory_space<vmem>> -> memref<48xi32, #tpu.memory_space<vmem>>
        %dma_start3A_78 = arith.constant 0 : i32
        %dma_start3A_79 = arith.constant 0 : i32
        %dma_start3A_80 = tpu.memref_slice %arg3[%dma_start3A_78, %dma_start3A_79] : memref<7680x768xf32, #tpu.memory_space<hbm>> -> memref<7680x768xf32, #tpu.memory_space<hbm>>
        tpu.enqueue_indirect_dma source(%dma_start3A_80 : memref<7680x768xf32, #tpu.memory_space<hbm>>) target(%arg6 : memref<48x768xf32, #tpu.memory_space<vmem>>) offsets(%dma_start3A_77 : memref<48xi32, #tpu.memory_space<vmem>>) semaphore(%arg8 : memref<!tpu.dma_semaphore, #tpu.memory_space<semaphore_mem>>)
      } else {
      }
    }
    %scan3A_11 = arith.constant 160 : i32
    %dma_wait3A = arith.constant 0 : i32
    %dma_wait3A_12 = tpu.memref_slice %arg4[%mul3A_2, %dma_wait3A] : memref<491520x768xf32, #tpu.memory_space<hbm>> -> memref<48x768xf32, #tpu.memory_space<hbm>>
    %dma_wait3A_13 = arith.constant 0 : i32
    %dma_wait3A_14 = tpu.memref_slice %arg4[%mul3A_2, %dma_wait3A_13] : memref<491520x768xf32, #tpu.memory_space<hbm>> -> memref<48x768xf32, #tpu.memory_space<hbm>>
    tpu.wait_dma2 semaphore(%arg11 : memref<!tpu.dma_semaphore, #tpu.memory_space<semaphore_mem>>) src(%arg7 : memref<48x768xf32, #tpu.memory_space<vmem>>) dst(%dma_wait3A_14 : memref<48x768xf32, #tpu.memory_space<hbm>>)
    return
  }
}

module attributes {stable_mosaic.version = 14 : i64} {
  func.func @body(%arg0: i32, %arg1: memref<2048x30xi32, #tpu.memory_space<vmem>>, %arg2: memref<2048x30xi32, #tpu.memory_space<vmem>>, %arg3: memref<2048x30xi32, #tpu.memory_space<vmem>>) attributes {dimension_semantics = [#tpu.dimension_semantics<arbitrary>], iteration_bounds = array<i64: 8>, scalar_prefetch = 0 : i64, scratch_operands = 0 : i64, tpu.core_type = #tpu.core_type<tc>, window_params = [{transform_indices = @transform_0, window_bounds = array<i64: 2048, 30>}, {transform_indices = @transform_1, window_bounds = array<i64: 2048, 30>}, {transform_indices = @transform_2, window_bounds = array<i64: 2048, 30>}]} {
    %iota3A = tpu.iota {dimensions = array<i32: 1>} : vector<2048x30xi32>
    %iota3A_0 = tpu.iota {dimensions = array<i32: 0>} : vector<2048x30xi32>
    %mul3A = arith.constant 2048 : i32
    %mul3A_1 = arith.muli %arg0, %mul3A : i32
    %add3A = vector.broadcast %mul3A_1 : i32 to vector<2048x30xi32>
    %add3A_2 = arith.addi %iota3A_0, %add3A : vector<2048x30xi32>
    %jit3A = arith.constant 512 : i32
    %div3A = vector.broadcast %jit3A : i32 to vector<2048x30xi32>
    %div3A_3 = arith.divsi %add3A_2, %div3A : vector<2048x30xi32>
    %sign3A = arith.constant 0 : i32
    %sign3A_4 = vector.broadcast %sign3A : i32 to vector<2048x30xi32>
    %sign3A_5 = arith.cmpi sgt, %add3A_2, %sign3A_4 : vector<2048x30xi32>
    %sign3A_6 = arith.extui %sign3A_5 : vector<2048x30xi1> to vector<2048x30xi32>
    %sign3A_7 = arith.constant 0 : i32
    %sign3A_8 = vector.broadcast %sign3A_7 : i32 to vector<2048x30xi32>
    %sign3A_9 = arith.cmpi slt, %add3A_2, %sign3A_8 : vector<2048x30xi32>
    %sign3A_10 = arith.extui %sign3A_9 : vector<2048x30xi1> to vector<2048x30xi32>
    %sign3A_11 = arith.subi %sign3A_6, %sign3A_10 : vector<2048x30xi32>
    %sign3A_12 = arith.constant 0 : i32
    %sign3A_13 = arith.cmpi sgt, %jit3A, %sign3A_12 : i32
    %sign3A_14 = arith.extui %sign3A_13 : i1 to i32
    %sign3A_15 = arith.constant 0 : i32
    %sign3A_16 = arith.cmpi slt, %jit3A, %sign3A_15 : i32
    %sign3A_17 = arith.extui %sign3A_16 : i1 to i32
    %sign3A_18 = arith.subi %sign3A_14, %sign3A_17 : i32
    %ne3A = vector.broadcast %sign3A_18 : i32 to vector<2048x30xi32>
    %ne3A_19 = arith.cmpi ne, %sign3A_11, %ne3A : vector<2048x30xi32>
    %rem3A = vector.broadcast %jit3A : i32 to vector<2048x30xi32>
    %rem3A_20 = arith.remsi %add3A_2, %rem3A : vector<2048x30xi32>
    %ne3A_21 = arith.constant 0 : i32
    %ne3A_22 = vector.broadcast %ne3A_21 : i32 to vector<2048x30xi32>
    %ne3A_23 = arith.cmpi ne, %rem3A_20, %ne3A_22 : vector<2048x30xi32>
    %and3A = arith.andi %ne3A_19, %ne3A_23 : vector<2048x30xi1>
    %sub3A = arith.constant 1 : i32
    %sub3A_24 = vector.broadcast %sub3A : i32 to vector<2048x30xi32>
    %sub3A_25 = arith.subi %div3A_3, %sub3A_24 : vector<2048x30xi32>
    %select_n3A = arith.select %and3A, %sub3A_25, %div3A_3 : vector<2048x30xi1>, vector<2048x30xi32>
    %mul3A_26 = arith.constant 240 : i32
    %mul3A_27 = vector.broadcast %mul3A_26 : i32 to vector<2048x30xi32>
    %mul3A_28 = arith.muli %select_n3A, %mul3A_27 : vector<2048x30xi32>
    %get3A = arith.constant 0 : index
    %get3A_29 = arith.constant 0 : index
    %get3A_30 = vector.load %arg1[%get3A, %get3A_29] : memref<2048x30xi32, #tpu.memory_space<vmem>>, vector<2048x30xi32>
    %mul3A_31 = arith.constant 2 : i32
    %mul3A_32 = vector.broadcast %mul3A_31 : i32 to vector<2048x30xi32>
    %mul3A_33 = arith.muli %get3A_30, %mul3A_32 : vector<2048x30xi32>
    %get3A_34 = arith.constant 0 : index
    %get3A_35 = arith.constant 0 : index
    %get3A_36 = vector.load %arg2[%get3A_34, %get3A_35] : memref<2048x30xi32, #tpu.memory_space<vmem>>, vector<2048x30xi32>
    %add3A_37 = arith.addi %mul3A_33, %get3A_36 : vector<2048x30xi32>
    %mul3A_38 = arith.constant 30 : i32
    %mul3A_39 = vector.broadcast %mul3A_38 : i32 to vector<2048x30xi32>
    %mul3A_40 = arith.muli %add3A_37, %mul3A_39 : vector<2048x30xi32>
    %add3A_41 = arith.addi %mul3A_40, %iota3A : vector<2048x30xi32>
    %add3A_42 = arith.addi %add3A_41, %mul3A_28 : vector<2048x30xi32>
    %swap3A = arith.constant 0 : index
    %swap3A_43 = arith.constant 0 : index
    %swap3A_44 = vector.load %arg3[%swap3A, %swap3A_43] : memref<2048x30xi32, #tpu.memory_space<vmem>>, vector<2048x30xi32>
    tpu.vector_store %arg3[%swap3A, %swap3A_43], %add3A_42 {strides = array<i32>} : memref<2048x30xi32, #tpu.memory_space<vmem>>, vector<2048x30xi32>,
    return
  }
  func.func @transform_0(%arg0: i32) -> (i32, i32) {
    %c0_i32 = arith.constant 0 : i32
    %c0_i32_0 = arith.constant 0 : i32
    return %arg0, %c0_i32 : i32, i32
  }
  func.func @transform_1(%arg0: i32) -> (i32, i32) {
    %c0_i32 = arith.constant 0 : i32
    %c0_i32_0 = arith.constant 0 : i32
    return %arg0, %c0_i32 : i32, i32
  }
  func.func @transform_2(%arg0: i32) -> (i32, i32) {
    %c0_i32 = arith.constant 0 : i32
    %c0_i32_0 = arith.constant 0 : i32
    return %arg0, %c0_i32 : i32, i32
  }
}

module attributes {stable_mosaic.version = 14 : i64} {
  func.func @_table_body(%arg0: i32, %arg1: memref<4x768xf32, #tpu.memory_space<vmem>>, %arg2: memref<2x768xf32, #tpu.memory_space<vmem>>, %arg3: memref<30x768xf32, #tpu.memory_space<vmem>>, %arg4: memref<1x768xf32, #tpu.memory_space<vmem>>, %arg5: memref<1x768xf32, #tpu.memory_space<vmem>>, %arg6: memref<240x768xf32, #tpu.memory_space<vmem>>) attributes {dimension_semantics = [#tpu.dimension_semantics<arbitrary>], iteration_bounds = array<i64: 32>, scalar_prefetch = 0 : i64, scratch_operands = 0 : i64, tpu.core_type = #tpu.core_type<tc>, window_params = [{pipeline_mode = #tpu.pipeline_mode<synchronous>, transform_indices = @transform_0, window_bounds = array<i64: 4, 768>}, {pipeline_mode = #tpu.pipeline_mode<synchronous>, transform_indices = @transform_1, window_bounds = array<i64: 2, 768>}, {pipeline_mode = #tpu.pipeline_mode<synchronous>, transform_indices = @transform_2, window_bounds = array<i64: 30, 768>}, {pipeline_mode = #tpu.pipeline_mode<synchronous>, transform_indices = @transform_3, window_bounds = array<i64: 1, 768>}, {pipeline_mode = #tpu.pipeline_mode<synchronous>, transform_indices = @transform_4, window_bounds = array<i64: 1, 768>}, {transform_indices = @transform_5, window_bounds = array<i64: 240, 768>}]} {
    %iota3A = tpu.iota {dimensions = array<i32: 0>} : vector<240x4xi32>
    %iota3A_0 = tpu.iota {dimensions = array<i32: 1>} : vector<240x4xi32>
    %jit3A = arith.constant 60 : i32
    %div3A = vector.broadcast %jit3A : i32 to vector<240x4xi32>
    %div3A_1 = arith.divsi %iota3A, %div3A : vector<240x4xi32>
    %sign3A = arith.constant 0 : i32
    %sign3A_2 = vector.broadcast %sign3A : i32 to vector<240x4xi32>
    %sign3A_3 = arith.cmpi sgt, %iota3A, %sign3A_2 : vector<240x4xi32>
    %sign3A_4 = arith.extui %sign3A_3 : vector<240x4xi1> to vector<240x4xi32>
    %sign3A_5 = arith.constant 0 : i32
    %sign3A_6 = vector.broadcast %sign3A_5 : i32 to vector<240x4xi32>
    %sign3A_7 = arith.cmpi slt, %iota3A, %sign3A_6 : vector<240x4xi32>
    %sign3A_8 = arith.extui %sign3A_7 : vector<240x4xi1> to vector<240x4xi32>
    %sign3A_9 = arith.subi %sign3A_4, %sign3A_8 : vector<240x4xi32>
    %sign3A_10 = arith.constant 0 : i32
    %sign3A_11 = arith.cmpi sgt, %jit3A, %sign3A_10 : i32
    %sign3A_12 = arith.extui %sign3A_11 : i1 to i32
    %sign3A_13 = arith.constant 0 : i32
    %sign3A_14 = arith.cmpi slt, %jit3A, %sign3A_13 : i32
    %sign3A_15 = arith.extui %sign3A_14 : i1 to i32
    %sign3A_16 = arith.subi %sign3A_12, %sign3A_15 : i32
    %ne3A = vector.broadcast %sign3A_16 : i32 to vector<240x4xi32>
    %ne3A_17 = arith.cmpi ne, %sign3A_9, %ne3A : vector<240x4xi32>
    %rem3A = vector.broadcast %jit3A : i32 to vector<240x4xi32>
    %rem3A_18 = arith.remsi %iota3A, %rem3A : vector<240x4xi32>
    %ne3A_19 = arith.constant 0 : i32
    %ne3A_20 = vector.broadcast %ne3A_19 : i32 to vector<240x4xi32>
    %ne3A_21 = arith.cmpi ne, %rem3A_18, %ne3A_20 : vector<240x4xi32>
    %and3A = arith.andi %ne3A_17, %ne3A_21 : vector<240x4xi1>
    %sub3A = arith.constant 1 : i32
    %sub3A_22 = vector.broadcast %sub3A : i32 to vector<240x4xi32>
    %sub3A_23 = arith.subi %div3A_1, %sub3A_22 : vector<240x4xi32>
    %select_n3A = arith.select %and3A, %sub3A_23, %div3A_1 : vector<240x4xi1>, vector<240x4xi32>
    %jit3A_24 = arith.constant 4 : i32
    %eq3A = arith.constant 0 : i32
    %eq3A_25 = arith.cmpi eq, %jit3A_24, %eq3A : i32
    %jit3A_26 = arith.constant 1 : i32
    %select_n3A_27 = arith.select %eq3A_25, %jit3A_26, %jit3A_24 : i32
    %rem3A_28 = vector.broadcast %select_n3A_27 : i32 to vector<240x4xi32>
    %rem3A_29 = arith.remsi %select_n3A, %rem3A_28 : vector<240x4xi32>
    %ne3A_30 = arith.constant 0 : i32
    %ne3A_31 = vector.broadcast %ne3A_30 : i32 to vector<240x4xi32>
    %ne3A_32 = arith.cmpi ne, %rem3A_29, %ne3A_31 : vector<240x4xi32>
    %lt3A = arith.constant 0 : i32
    %lt3A_33 = vector.broadcast %lt3A : i32 to vector<240x4xi32>
    %lt3A_34 = arith.cmpi slt, %rem3A_29, %lt3A_33 : vector<240x4xi32>
    %lt3A_35 = arith.constant 0 : i32
    %lt3A_36 = arith.cmpi slt, %select_n3A_27, %lt3A_35 : i32
    %ne3A_37 = vector.broadcast %lt3A_36 : i1 to vector<240x4xi1>
    %ne3A_38 = vector.broadcast %ne3A_37 : vector<240x4xi1> to vector<240x4xi1>
    %ne3A_39 = arith.xori %lt3A_34, %ne3A_38 : vector<240x4xi1>
    %and3A_40 = arith.andi %ne3A_39, %ne3A_32 : vector<240x4xi1>
    %add3A = vector.broadcast %select_n3A_27 : i32 to vector<240x4xi32>
    %add3A_41 = arith.addi %rem3A_29, %add3A : vector<240x4xi32>
    %select_n3A_42 = arith.select %and3A_40, %add3A_41, %rem3A_29 : vector<240x4xi1>, vector<240x4xi32>
    %eq3A_43 = arith.cmpi eq, %select_n3A_42, %iota3A_0 : vector<240x4xi32>
    %convert_element_type3A = arith.extui %eq3A_43 : vector<240x4xi1> to vector<240x4xi32>
    %convert_element_type3A_44 = arith.sitofp %convert_element_type3A : vector<240x4xi32> to vector<240x4xf32>
    %iota3A_45 = tpu.iota {dimensions = array<i32: 0>} : vector<240x2xi32>
    %iota3A_46 = tpu.iota {dimensions = array<i32: 1>} : vector<240x2xi32>
    %jit3A_47 = arith.constant 30 : i32
    %div3A_48 = vector.broadcast %jit3A_47 : i32 to vector<240x2xi32>
    %div3A_49 = arith.divsi %iota3A_45, %div3A_48 : vector<240x2xi32>
    %sign3A_50 = arith.constant 0 : i32
    %sign3A_51 = vector.broadcast %sign3A_50 : i32 to vector<240x2xi32>
    %sign3A_52 = arith.cmpi sgt, %iota3A_45, %sign3A_51 : vector<240x2xi32>
    %sign3A_53 = arith.extui %sign3A_52 : vector<240x2xi1> to vector<240x2xi32>
    %sign3A_54 = arith.constant 0 : i32
    %sign3A_55 = vector.broadcast %sign3A_54 : i32 to vector<240x2xi32>
    %sign3A_56 = arith.cmpi slt, %iota3A_45, %sign3A_55 : vector<240x2xi32>
    %sign3A_57 = arith.extui %sign3A_56 : vector<240x2xi1> to vector<240x2xi32>
    %sign3A_58 = arith.subi %sign3A_53, %sign3A_57 : vector<240x2xi32>
    %sign3A_59 = arith.constant 0 : i32
    %sign3A_60 = arith.cmpi sgt, %jit3A_47, %sign3A_59 : i32
    %sign3A_61 = arith.extui %sign3A_60 : i1 to i32
    %sign3A_62 = arith.constant 0 : i32
    %sign3A_63 = arith.cmpi slt, %jit3A_47, %sign3A_62 : i32
    %sign3A_64 = arith.extui %sign3A_63 : i1 to i32
    %sign3A_65 = arith.subi %sign3A_61, %sign3A_64 : i32
    %ne3A_66 = vector.broadcast %sign3A_65 : i32 to vector<240x2xi32>
    %ne3A_67 = arith.cmpi ne, %sign3A_58, %ne3A_66 : vector<240x2xi32>
    %rem3A_68 = vector.broadcast %jit3A_47 : i32 to vector<240x2xi32>
    %rem3A_69 = arith.remsi %iota3A_45, %rem3A_68 : vector<240x2xi32>
    %ne3A_70 = arith.constant 0 : i32
    %ne3A_71 = vector.broadcast %ne3A_70 : i32 to vector<240x2xi32>
    %ne3A_72 = arith.cmpi ne, %rem3A_69, %ne3A_71 : vector<240x2xi32>
    %and3A_73 = arith.andi %ne3A_67, %ne3A_72 : vector<240x2xi1>
    %sub3A_74 = arith.constant 1 : i32
    %sub3A_75 = vector.broadcast %sub3A_74 : i32 to vector<240x2xi32>
    %sub3A_76 = arith.subi %div3A_49, %sub3A_75 : vector<240x2xi32>
    %select_n3A_77 = arith.select %and3A_73, %sub3A_76, %div3A_49 : vector<240x2xi1>, vector<240x2xi32>
    %jit3A_78 = arith.constant 2 : i32
    %eq3A_79 = arith.constant 0 : i32
    %eq3A_80 = arith.cmpi eq, %jit3A_78, %eq3A_79 : i32
    %jit3A_81 = arith.constant 1 : i32
    %select_n3A_82 = arith.select %eq3A_80, %jit3A_81, %jit3A_78 : i32
    %rem3A_83 = vector.broadcast %select_n3A_82 : i32 to vector<240x2xi32>
    %rem3A_84 = arith.remsi %select_n3A_77, %rem3A_83 : vector<240x2xi32>
    %ne3A_85 = arith.constant 0 : i32
    %ne3A_86 = vector.broadcast %ne3A_85 : i32 to vector<240x2xi32>
    %ne3A_87 = arith.cmpi ne, %rem3A_84, %ne3A_86 : vector<240x2xi32>
    %lt3A_88 = arith.constant 0 : i32
    %lt3A_89 = vector.broadcast %lt3A_88 : i32 to vector<240x2xi32>
    %lt3A_90 = arith.cmpi slt, %rem3A_84, %lt3A_89 : vector<240x2xi32>
    %lt3A_91 = arith.constant 0 : i32
    %lt3A_92 = arith.cmpi slt, %select_n3A_82, %lt3A_91 : i32
    %ne3A_93 = vector.broadcast %lt3A_92 : i1 to vector<240x2xi1>
    %ne3A_94 = vector.broadcast %ne3A_93 : vector<240x2xi1> to vector<240x2xi1>
    %ne3A_95 = arith.xori %lt3A_90, %ne3A_94 : vector<240x2xi1>
    %and3A_96 = arith.andi %ne3A_95, %ne3A_87 : vector<240x2xi1>
    %add3A_97 = vector.broadcast %select_n3A_82 : i32 to vector<240x2xi32>
    %add3A_98 = arith.addi %rem3A_84, %add3A_97 : vector<240x2xi32>
    %select_n3A_99 = arith.select %and3A_96, %add3A_98, %rem3A_84 : vector<240x2xi1>, vector<240x2xi32>
    %eq3A_100 = arith.cmpi eq, %select_n3A_99, %iota3A_46 : vector<240x2xi32>
    %convert_element_type3A_101 = arith.extui %eq3A_100 : vector<240x2xi1> to vector<240x2xi32>
    %convert_element_type3A_102 = arith.sitofp %convert_element_type3A_101 : vector<240x2xi32> to vector<240x2xf32>
    %iota3A_103 = tpu.iota {dimensions = array<i32: 0>} : vector<240x30xi32>
    %iota3A_104 = tpu.iota {dimensions = array<i32: 1>} : vector<240x30xi32>
    %jit3A_105 = arith.constant 1 : i32
    %div3A_106 = vector.broadcast %jit3A_105 : i32 to vector<240x30xi32>
    %div3A_107 = arith.divsi %iota3A_103, %div3A_106 : vector<240x30xi32>
    %sign3A_108 = arith.constant 0 : i32
    %sign3A_109 = vector.broadcast %sign3A_108 : i32 to vector<240x30xi32>
    %sign3A_110 = arith.cmpi sgt, %iota3A_103, %sign3A_109 : vector<240x30xi32>
    %sign3A_111 = arith.extui %sign3A_110 : vector<240x30xi1> to vector<240x30xi32>
    %sign3A_112 = arith.constant 0 : i32
    %sign3A_113 = vector.broadcast %sign3A_112 : i32 to vector<240x30xi32>
    %sign3A_114 = arith.cmpi slt, %iota3A_103, %sign3A_113 : vector<240x30xi32>
    %sign3A_115 = arith.extui %sign3A_114 : vector<240x30xi1> to vector<240x30xi32>
    %sign3A_116 = arith.subi %sign3A_111, %sign3A_115 : vector<240x30xi32>
    %sign3A_117 = arith.constant 0 : i32
    %sign3A_118 = arith.cmpi sgt, %jit3A_105, %sign3A_117 : i32
    %sign3A_119 = arith.extui %sign3A_118 : i1 to i32
    %sign3A_120 = arith.constant 0 : i32
    %sign3A_121 = arith.cmpi slt, %jit3A_105, %sign3A_120 : i32
    %sign3A_122 = arith.extui %sign3A_121 : i1 to i32
    %sign3A_123 = arith.subi %sign3A_119, %sign3A_122 : i32
    %ne3A_124 = vector.broadcast %sign3A_123 : i32 to vector<240x30xi32>
    %ne3A_125 = arith.cmpi ne, %sign3A_116, %ne3A_124 : vector<240x30xi32>
    %rem3A_126 = vector.broadcast %jit3A_105 : i32 to vector<240x30xi32>
    %rem3A_127 = arith.remsi %iota3A_103, %rem3A_126 : vector<240x30xi32>
    %ne3A_128 = arith.constant 0 : i32
    %ne3A_129 = vector.broadcast %ne3A_128 : i32 to vector<240x30xi32>
    %ne3A_130 = arith.cmpi ne, %rem3A_127, %ne3A_129 : vector<240x30xi32>
    %and3A_131 = arith.andi %ne3A_125, %ne3A_130 : vector<240x30xi1>
    %sub3A_132 = arith.constant 1 : i32
    %sub3A_133 = vector.broadcast %sub3A_132 : i32 to vector<240x30xi32>
    %sub3A_134 = arith.subi %div3A_107, %sub3A_133 : vector<240x30xi32>
    %select_n3A_135 = arith.select %and3A_131, %sub3A_134, %div3A_107 : vector<240x30xi1>, vector<240x30xi32>
    %jit3A_136 = arith.constant 30 : i32
    %eq3A_137 = arith.constant 0 : i32
    %eq3A_138 = arith.cmpi eq, %jit3A_136, %eq3A_137 : i32
    %jit3A_139 = arith.constant 1 : i32
    %select_n3A_140 = arith.select %eq3A_138, %jit3A_139, %jit3A_136 : i32
    %rem3A_141 = vector.broadcast %select_n3A_140 : i32 to vector<240x30xi32>
    %rem3A_142 = arith.remsi %select_n3A_135, %rem3A_141 : vector<240x30xi32>
    %ne3A_143 = arith.constant 0 : i32
    %ne3A_144 = vector.broadcast %ne3A_143 : i32 to vector<240x30xi32>
    %ne3A_145 = arith.cmpi ne, %rem3A_142, %ne3A_144 : vector<240x30xi32>
    %lt3A_146 = arith.constant 0 : i32
    %lt3A_147 = vector.broadcast %lt3A_146 : i32 to vector<240x30xi32>
    %lt3A_148 = arith.cmpi slt, %rem3A_142, %lt3A_147 : vector<240x30xi32>
    %lt3A_149 = arith.constant 0 : i32
    %lt3A_150 = arith.cmpi slt, %select_n3A_140, %lt3A_149 : i32
    %ne3A_151 = vector.broadcast %lt3A_150 : i1 to vector<240x30xi1>
    %ne3A_152 = vector.broadcast %ne3A_151 : vector<240x30xi1> to vector<240x30xi1>
    %ne3A_153 = arith.xori %lt3A_148, %ne3A_152 : vector<240x30xi1>
    %and3A_154 = arith.andi %ne3A_153, %ne3A_145 : vector<240x30xi1>
    %add3A_155 = vector.broadcast %select_n3A_140 : i32 to vector<240x30xi32>
    %add3A_156 = arith.addi %rem3A_142, %add3A_155 : vector<240x30xi32>
    %select_n3A_157 = arith.select %and3A_154, %add3A_156, %rem3A_142 : vector<240x30xi1>, vector<240x30xi32>
    %eq3A_158 = arith.cmpi eq, %select_n3A_157, %iota3A_104 : vector<240x30xi32>
    %convert_element_type3A_159 = arith.extui %eq3A_158 : vector<240x30xi1> to vector<240x30xi32>
    %convert_element_type3A_160 = arith.sitofp %convert_element_type3A_159 : vector<240x30xi32> to vector<240x30xf32>
    %get3A = arith.constant 0 : index
    %get3A_161 = arith.constant 0 : index
    %get3A_162 = vector.load %arg1[%get3A, %get3A_161] : memref<4x768xf32, #tpu.memory_space<vmem>>, vector<4x768xf32>
    %dot_general3A = arith.constant dense<0.000000e+00> : vector<240x768xf32>
    %dot_general3A_163 = tpu.matmul %convert_element_type3A_44, %get3A_162, %dot_general3A {dimension_numbers = #tpu.dot_dimension_numbers<[1], [0], [0], [1], [0, 0, 1, 1], [], []>, precision = #tpu.contract_precision<fp32>, transpose_lhs_hint = false} : vector<240x4xf32>, vector<4x768xf32>, vector<240x768xf32> -> vector<240x768xf32>
    %get3A_164 = arith.constant 0 : index
    %get3A_165 = arith.constant 0 : index
    %get3A_166 = vector.load %arg2[%get3A_164, %get3A_165] : memref<2x768xf32, #tpu.memory_space<vmem>>, vector<2x768xf32>
    %dot_general3A_167 = arith.constant dense<0.000000e+00> : vector<240x768xf32>
    %dot_general3A_168 = tpu.matmul %convert_element_type3A_102, %get3A_166, %dot_general3A_167 {dimension_numbers = #tpu.dot_dimension_numbers<[1], [0], [0], [1], [0, 0, 1, 1], [], []>, precision = #tpu.contract_precision<fp32>, transpose_lhs_hint = false} : vector<240x2xf32>, vector<2x768xf32>, vector<240x768xf32> -> vector<240x768xf32>
    %add3A_169 = arith.addf %dot_general3A_163, %dot_general3A_168 : vector<240x768xf32>
    %get3A_170 = arith.constant 0 : index
    %get3A_171 = arith.constant 0 : index
    %get3A_172 = vector.load %arg3[%get3A_170, %get3A_171] : memref<30x768xf32, #tpu.memory_space<vmem>>, vector<30x768xf32>
    %dot_general3A_173 = arith.constant dense<0.000000e+00> : vector<240x768xf32>
    %dot_general3A_174 = tpu.matmul %convert_element_type3A_160, %get3A_172, %dot_general3A_173 {dimension_numbers = #tpu.dot_dimension_numbers<[1], [0], [0], [1], [0, 0, 1, 1], [], []>, precision = #tpu.contract_precision<fp32>, transpose_lhs_hint = false} : vector<240x30xf32>, vector<30x768xf32>, vector<240x768xf32> -> vector<240x768xf32>
    %add3A_175 = arith.addf %add3A_169, %dot_general3A_174 : vector<240x768xf32>
    %reduce_sum3A = arith.constant dense<0.000000e+00> : vector<240xf32>
    %reduce_sum3A_176 = vector.multi_reduction <add>, %add3A_175, %reduce_sum3A [1] : vector<240x768xf32> to vector<240xf32>
    %broadcast_in_dim3A = vector.shape_cast %reduce_sum3A_176 : vector<240xf32> to vector<240x1xf32>
    %div3A_177 = arith.constant 7.680000e+02 : f32
    %div3A_178 = vector.broadcast %div3A_177 : f32 to vector<240x1xf32>
    %div3A_179 = arith.divf %broadcast_in_dim3A, %div3A_178 : vector<240x1xf32>
    %sub3A_180 = vector.broadcast %div3A_179 : vector<240x1xf32> to vector<240x768xf32>
    %sub3A_181 = arith.subf %add3A_175, %sub3A_180 : vector<240x768xf32>
    %square3A = arith.mulf %sub3A_181, %sub3A_181 : vector<240x768xf32>
    %reduce_sum3A_182 = arith.constant dense<0.000000e+00> : vector<240xf32>
    %reduce_sum3A_183 = vector.multi_reduction <add>, %square3A, %reduce_sum3A_182 [1] : vector<240x768xf32> to vector<240xf32>
    %broadcast_in_dim3A_184 = vector.shape_cast %reduce_sum3A_183 : vector<240xf32> to vector<240x1xf32>
    %div3A_185 = arith.constant 7.680000e+02 : f32
    %div3A_186 = vector.broadcast %div3A_185 : f32 to vector<240x1xf32>
    %div3A_187 = arith.divf %broadcast_in_dim3A_184, %div3A_186 : vector<240x1xf32>
    %sub3A_188 = vector.broadcast %div3A_179 : vector<240x1xf32> to vector<240x768xf32>
    %sub3A_189 = arith.subf %add3A_175, %sub3A_188 : vector<240x768xf32>
    %add3A_190 = arith.constant 9.99999974E-6 : f32
    %add3A_191 = vector.broadcast %add3A_190 : f32 to vector<240x1xf32>
    %add3A_192 = arith.addf %div3A_187, %add3A_191 : vector<240x1xf32>
    %rsqrt3A = math.rsqrt %add3A_192 : vector<240x1xf32>
    %mul3A = vector.broadcast %rsqrt3A : vector<240x1xf32> to vector<240x768xf32>
    %mul3A_193 = arith.mulf %sub3A_189, %mul3A : vector<240x768xf32>
    %get3A_194 = arith.constant 0 : index
    %get3A_195 = arith.constant 0 : index
    %get3A_196 = vector.load %arg4[%get3A_194, %get3A_195] : memref<1x768xf32, #tpu.memory_space<vmem>>, vector<1x768xf32>
    %mul3A_197 = vector.broadcast %get3A_196 : vector<1x768xf32> to vector<240x768xf32>
    %mul3A_198 = arith.mulf %mul3A_193, %mul3A_197 : vector<240x768xf32>
    %get3A_199 = arith.constant 0 : index
    %get3A_200 = arith.constant 0 : index
    %get3A_201 = vector.load %arg5[%get3A_199, %get3A_200] : memref<1x768xf32, #tpu.memory_space<vmem>>, vector<1x768xf32>
    %add3A_202 = vector.broadcast %get3A_201 : vector<1x768xf32> to vector<240x768xf32>
    %add3A_203 = arith.addf %mul3A_198, %add3A_202 : vector<240x768xf32>
    %swap3A = arith.constant 0 : index
    %swap3A_204 = arith.constant 0 : index
    %swap3A_205 = vector.load %arg6[%swap3A, %swap3A_204] : memref<240x768xf32, #tpu.memory_space<vmem>>, vector<240x768xf32>
    tpu.vector_store %arg6[%swap3A, %swap3A_204], %add3A_203 {strides = array<i32>} : memref<240x768xf32, #tpu.memory_space<vmem>>, vector<240x768xf32>,
    return
  }
  func.func @transform_0(%arg0: i32) -> (i32, i32) {
    %c0_i32 = arith.constant 0 : i32
    %c0_i32_0 = arith.constant 0 : i32
    %c0_i32_1 = arith.constant 0 : i32
    return %c0_i32, %c0_i32_0 : i32, i32
  }
  func.func @transform_1(%arg0: i32) -> (i32, i32) {
    %c0_i32 = arith.constant 0 : i32
    %c0_i32_0 = arith.constant 0 : i32
    %c0_i32_1 = arith.constant 0 : i32
    return %c0_i32, %c0_i32_0 : i32, i32
  }
  func.func @transform_2(%arg0: i32) -> (i32, i32) {
    %c0_i32 = arith.constant 0 : i32
    %c0_i32_0 = arith.constant 0 : i32
    %c0_i32_1 = arith.constant 0 : i32
    return %c0_i32, %c0_i32_0 : i32, i32
  }
  func.func @transform_3(%arg0: i32) -> (i32, i32) {
    %c0_i32 = arith.constant 0 : i32
    %c0_i32_0 = arith.constant 0 : i32
    %c0_i32_1 = arith.constant 0 : i32
    return %c0_i32, %c0_i32_0 : i32, i32
  }
  func.func @transform_4(%arg0: i32) -> (i32, i32) {
    %c0_i32 = arith.constant 0 : i32
    %c0_i32_0 = arith.constant 0 : i32
    %c0_i32_1 = arith.constant 0 : i32
    return %c0_i32, %c0_i32_0 : i32, i32
  }
  func.func @transform_5(%arg0: i32) -> (i32, i32) {
    %c0_i32 = arith.constant 0 : i32
    %c0_i32_0 = arith.constant 0 : i32
    return %arg0, %c0_i32 : i32, i32
  }
}

</mosaic_0001>

<sc_bundles>
// kernel: kernel.5.cloned.1.call-start
scs
__scs_entry_jumppad:
0x0: {  	(pc) =	sbr.rel $0x88, $3  }
0x1: {  	(tag) =	ssettag $0x0;
	lr =	simm.s32 $0x1  }
0x2: {  	[smem:$0x3F9A] =	sst lr;
	_ =	strace $0xD0000000  }
0x3: {  	_ = 	snop  }
0x4: {  	_ = 	snop  }
0x5: {  	_ = 	snop  }
0x6: {  	_ = 	snop  }
0x7: {  	_ = 	snop  }
__scs_overlays_trampoline_lowered:
0x8: {  	[smem:$0x3FA9] =	sst s0  }
0x9: {  	[smem:$0x3FAA] =	sst s1  }
0xa: {  	[smem:$0x3FAB] =	sst s2  }
0xb: {  	[smem:$0x3FAC] =	sst s3  }
0xc: {  	[smem:$0x3FAD] =	sst s4  }
0xd: {  	[smem:$0x3FAE] =	sst s5  }
0xe: {  	[smem:$0x3FAF] =	sst s6  }
0xf: {  	[smem:$0x3FB0] =	sst s7  }
0x10: {  	[smem:$0x3FB1] =	sst s8  }
0x11: {  	[smem:$0x3FB2] =	sst s9;
	s0 =	simm.s32 @!p0 $0x0  }
0x12: {  	s1 =	sld [smem:$0x3F98];
	s0 =	simm.s32 @p0 $0x1  }
0x13: {  	[smem:$0x3FB3] =	sst s0;
	s0 =	simm.s32 @!p1 $0x0  }
0x14: {  	s2 =	sld [smem:$0x3F97];
	s0 =	simm.s32 @p1 $0x1  }
0x15: {  	[smem:$0x3FB4] =	sst s0;
	s0 =	simm.s32 @!p2 $0x0  }
0x16: {  	s3 =	sld [smem:$0x3FDB];
	s0 =	simm.s32 @p2 $0x1  }
0x17: {  	s4 =	simm.s32 $0x1BF5;
	[smem:$0x3FB6] =	sst s0  }
0x18: {  	s0 =	sld [smem:$0x3F99];
	_ =	swait.ge [sflag:s4], $0x0  }
0x19: {  	s7 =	sld [smem:$0x3F9A]  }
0x1a: {  	s8 =	sadd.s32 $0xFFFFE003, lr  }
0x1b: {  	s9 =	sadd.s32 $0xFFFFFEF7, lr;
	s5 =	simm.s32 $0xFFFFFFFF;
	p2 =	slt.u32 s8, $0xFFFFF086  }
0x1c: {  	p1 =	slt.u32 s9, $0xF7A;
	s5 =	simm.s32 @!p2 $0x0  }
0x1d: {  	s5 =	simm.s32 @p1 $0x1;
	p0 =	seq.s32 s7, s2  }
0x1e: {  	s7 =	smul.u32 @!p0 $0xF7A, s2;
	p2 =	seq.s32 @!p0 s5, $0x0  }
0x1f: {  	s9 =	smul.u32 $0xF7A, s1;
	s8 =	simm.s32 @!p0 $0x1BF5;
	p2 =	por !p2, p0  }
0x20: {  	[sflag:s8] =	ssyncset.s32 @!p0 $0xFFFFF086;
	s6 =	sadd.s32 @!p0 s3, s7;
	s7 =	simm.s32 @!p0 $0x108  }
0x21: {  	s3 =	sadd.s32 s3, s9;
	s6 =	sadd.s32 @!p0 $0x88, s6;
	s7 =	simm.s32 @p2 $0x1082  }
0x22: {  	[simem:s7], [sflag:s8] =	dma.local @!p0 [hbm:s6], $0xF7A  }
0x23: {  	s9 =	sor.u32 $0xD0000000, s2;
	s6 =	simm.s32 $0x108;
	_ =	swait.ge @!p0 [sflag:s8], $0x0  }
0x24: {  	s3 =	sadd.s32 $0x88, s3;
	s6 =	simm.s32 @!p1 $0x1082;
	[sflag:s4] =	ssyncset.s32 $0xFFFFF086  }
0x25: {  	[simem:s6], [sflag:s4] =	dma.local [hbm:s3], $0xF7A  }
0x26: {  	[smem:$0x3F9A] =	sst s1;
	(tag) =	ssettag s2;
	_ =	strace s9  }
0x27: {  	s1 =	sld [smem:$0x3FAA]  }
0x28: {  	s2 =	sld [smem:$0x3FAB]  }
0x29: {  	s4 =	sld [smem:$0x3FAD]  }
0x2a: {  	p0 =	seq.s32 s5, $0x0;
	s5 =	sld [smem:$0x3FAE]  }
0x2b: {  	s6 =	sld [smem:$0x3FAF]  }
0x2c: {  	s7 =	sld [smem:$0x3FB0]  }
0x2d: {  	s3 =	simm.s32 $0x108;
	s8 =	sld [smem:$0x3FB1]  }
0x2e: {  	s3 =	simm.s32 @!p0 $0x1082;
	s9 =	sld [smem:$0x3FB2]  }
0x2f: {  	lr =	sadd.s32 s0, s3;
	s0 =	sld [smem:$0x3FA9]  }
0x30: {  	s3 =	sld [smem:$0x3FAC]  }
0x31: {  	[smem:$0x3FB5] =	sst s10  }
0x32: {  	s10 =	sld [smem:$0x3FB3];
	_ =	sdelay $0x3  }
0x33: {  	p0 =	seq.s32 s10, $0x1;
	s10 =	sld [smem:$0x3FB5];
	_ =	sdelay $0x3  }
0x34: {  	[smem:$0x3FB5] =	sst s10  }
0x35: {  	s10 =	sld [smem:$0x3FB4];
	_ =	sdelay $0x3  }
0x36: {  	p1 =	seq.s32 s10, $0x1;
	s10 =	sld [smem:$0x3FB5];
	_ =	sdelay $0x3  }
0x37: {  	[smem:$0x3FB5] =	sst s10  }
0x38: {  	s10 =	sld [smem:$0x3FB6]  }
0x39: {  	_ = 	snop;
	(pc) =	sbr.ind lr, $3  }
0x3a: {  	_ = 	snop  }
0x3b: {  	_ = 	snop  }
0x3c: {  	p2 =	seq.s32 s10, $0x1;
	s10 =	sld [smem:$0x3FB5]  }
0x3d: {  	_ =	shalt  }
0x3e: {  	_ =	shalt  }
0x3f: {  	_ =	shalt  }
0x40: {  	_ =	shalt  }
0x41: {  	_ =	shalt  }
0x42: {  	_ =	shalt  }
0x43: {  	_ =	shalt  }
0x44: {  	_ =	shalt  }
0x45: {  	_ =	shalt  }
0x46: {  	_ =	shalt  }
0x47: {  	_ =	shalt  }
0x48: {  	_ =	shalt  }
0x49: {  	_ =	shalt  }
0x4a: {  	_ =	shalt  }
0x4b: {  	_ =	shalt  }
0x4c: {  	_ =	shalt  }
0x4d: {  	_ =	shalt  }
0x4e: {  	_ =	shalt  }
0x4f: {  	_ =	shalt  }
0x50: {  	_ =	shalt  }
0x51: {  	_ =	shalt  }
0x52: {  	_ =	shalt  }
0x53: {  	_ =	shalt  }
0x54: {  	_ =	shalt  }
0x55: {  	_ =	shalt  }
0x56: {  	_ =	shalt  }
0x57: {  	_ =	shalt  }
0x58: {  	_ =	shalt  }
0x59: {  	_ =	shalt  }
0x5a: {  	_ =	shalt  }
0x5b: {  	_ =	shalt  }
0x5c: {  	_ =	shalt  }
0x5d: {  	_ =	shalt  }
0x5e: {  	_ =	shalt  }
0x5f: {  	_ =	shalt  }
0x60: {  	_ =	shalt  }
0x61: {  	_ =	shalt  }
0x62: {  	_ =	shalt  }
0x63: {  	_ =	shalt  }
0x64: {  	_ =	shalt  }
0x65: {  	_ =	shalt  }
0x66: {  	_ =	shalt  }
0x67: {  	_ =	shalt  }
0x68: {  	_ =	shalt  }
0x69: {  	_ =	shalt  }
0x6a: {  	_ =	shalt  }
0x6b: {  	_ =	shalt  }
0x6c: {  	_ =	shalt  }
0x6d: {  	_ =	shalt  }
0x6e: {  	_ =	shalt  }
0x6f: {  	_ =	shalt  }
0x70: {  	_ =	shalt  }
0x71: {  	_ =	shalt  }
0x72: {  	_ =	shalt  }
0x73: {  	_ =	shalt  }
0x74: {  	_ =	shalt  }
0x75: {  	_ =	shalt  }
0x76: {  	_ =	shalt  }
0x77: {  	_ =	shalt  }
0x78: {  	_ =	shalt  }
0x79: {  	_ =	shalt  }
0x7a: {  	_ =	shalt  }
0x7b: {  	_ =	shalt  }
0x7c: {  	_ =	shalt  }
0x7d: {  	_ =	shalt  }
0x7e: {  	_ =	shalt  }
0x7f: {  	_ =	shalt  }
0x80: {  	_ =	shalt  }
0x81: {  	_ =	shalt  }
0x82: {  	_ =	shalt  }
0x83: {  	_ =	shalt  }
0x84: {  	_ =	shalt  }
0x85: {  	_ =	shalt  }
0x86: {  	_ =	shalt  }
0x87: {  	_ =	shalt  }
.Lfunc_end0:
.L_simem_size_0:
called_computation.1_lowered:
.L_overlay_start_0:
0x88: {  	s2 =	sld [smem:$0x3FD9]  }
0x89: {  	s3 =	sld [smem:$0x3FFE];
	_ =	sdelay $0x1  }
0x8a: {  	s1 =	srdreg.scid  }
0x8b: {  	s0 =	sand.u32 $0x1, s1  }
0x8c: {  	s17 =	sshll.u32 s0, $0xA;
	s2 =	sadd.s32 s3, s2  }
0x8d: {  	s2 =	sadd.s32 s2, s17  }
0x8e: {  	[smem:$0x3FC1] =	sst s2  }
0x8f: {  	_ = 	snop  }
0x90: {  	s2 =	sld [smem:$0x3FD0];
	(tm) =	ssettm $0x1  }
0x91: {  	s18 =	sld [smem:$0x3FFB];
	_ =	sdelay $0x3  }
0x92: {  	_ =	strace s18  }
0x93: {  	s3 =	sld [smem:$0x3FFC];
	_ =	sdelay $0x3  }
0x94: {  	_ =	strace s3  }
0x95: {  	s3 =	sld [smem:$0x3FFD];
	_ =	sdelay $0x3  }
0x96: {  	_ =	strace s3  }
0x97: {  	_ =	strace $0x8FFFFFFF  }
0x98: {  	s19 =	sld [smem:$0x3FDB];
	_ =	sdelay $0x1  }
0x99: {  	s4 =	simm.s32 $_scs_section_size  }
0x9a: {  	s5 =	simm.s32 $_size__tile_overlayer_lowered;
	s6 =	simm.s32 $_tile_overlayer_lowered  }
0x9b: {  	s22 =	simm.s32 $0x1BFF;
	s21 =	sshll.u32 s6, $0x1;
	s3 =	sadd.s32 s4, s19  }
0x9c: {  	s7 =	simm.s32 $0x0;
	s20 =	sshll.u32 s5, $0x1;
	s5 =	sadd.s32 s21, s3  }
0x9d: {  	[timem:s7], [sflag:s22] =	dma.local [hbm:s5], s20  }
0x9e: {  	_ =	swait.ge [sflag:s22], s20  }
0x9f: {  	s4 =	ssub.s32 $0x0, s20;
	[sflag:s22] =	ssyncset.done $0x0  }
0xa0: {  	[sflag:s22] =	ssyncadd.s32 s4;
	_ =	sdelay $0x1  }
0xa1: {  	s23 =	simm.s32 $0x1B8B  }
0xa2: {  	_ =	swait.ge [sflag:s23], $0x1  }
0xa3: {  	[sflag:s23] =	ssyncset.done $0x0  }
0xa4: {  	s25 =	simm.s32 $0x1B8E;
	s24 =	sld [smem:$0x3FFE];
	[sflag:s23] =	ssyncadd.s32 $0xFFFFFFFF  }
0xa5: {  	s26 =	simm.s32 $execute0_lowered;
	[smem:$0x3FD2] =	sst s25  }
0xa6: {  	s5 =	sshll.u32 s26, $0x1;
	_ =	strace $0x80000046;
	[dreg:$0x1] =	wrdreg $0xFFFFFFFF  }
0xa7: {  	s28 =	simm.s32 $_size_execute0_lowered;
	s3 =	sadd.s32 s3, s5;
	[dreg:$0x0] =	wrdreg $0x0  }
0xa8: {  	s5 =	sshll.u32 s28, $0x1;
	[dreg:$0x2] =	wrdreg s3  }
0xa9: {  	[dreg:$0x3] =	wrdreg s5  }
0xaa: {  	[dreg:$0x4] =	wrdreg $0xC0  }
0xab: {  	_ =	task [dreg:s7], $0x5FFFF  }
0xac: {  	[dreg:$0x1] =	wrdreg $0xFFFFFFFF  }
0xad: {  	[dreg:$0x0] =	wrdreg $0x60  }
0xae: {  	[dreg:$0x2] =	wrdreg s24  }
0xaf: {  	[dreg:$0x3] =	wrdreg s2  }
0xb0: {  	[dreg:$0x4] =	wrdreg $0x9  }
0xb1: {  	_ =	task.clear_ibuf [dreg:s7], $0x5FFFF;
	_ =	strace $0x90000046  }
0xb2: {  	s29 =	simm.s32 $0x9;
	_ =	strace $0x80000048  }
0xb3: {  	_ =	swait.ge [sflag:s29], $0x1  }
0xb4: {  	[sflag:s29] =	ssyncadd.s32 $0xFFFFFFFF  }
0xb5: {  	_ =	strace $0x90000048  }
0xb6: {  	_ =	sfence  }
0xb7: {  	s30 =	sld [smem:$0x0];
	_ =	sdelay $0x2  }
0xb8: {  	s31 =	sshll.u32 s1, $0xD;
	s1 =	sshrl.u32 s1, $0x2  }
0xb9: {  	s3 =	sand.u32 $0x4000, s31;
	s1 =	sadd.s32 s1, s30  }
0xba: {  	s0 =	sor.u32 s3, s0;
	s1 =	sshll.u32 s1, $0x11  }
0xbb: {  	s0 =	sor.u32 s1, s0  }
0xbc: {  	s0 =	sadd.s32 $0x8F2B, s0  }
0xbd: {  	[sflag:s0] =	ssyncadd.remote.s32 $0x1  }
0xbe: {  	_ =	sfence.sel $0xFFFF  }
0xbf: {  	[dreg:$0x0] =	wrdreg $0xFFFFFFFF;
	(pc) =	sbr.abs _section_cstart, $3  }
0xc0: {  	[dreg:$0x1] =	wrdreg $0xFFFFFFFF  }
0xc1: {  	_ =	task.clear_ibuf [dreg:s7], $0x2FFFF;
	_ =	strace $0x9FFFFFFF  }
0xc2: {  	(tm) =	ssettm $0x7FFFFFFF  }
0xc3: {  	_ =	shalt  }
tec
execute0_lowered:
.L_overlay_start_1:
0x0: {  	(tag) =	ssettag $0x1  }
0x1: {  	s0 =	rddreg [dreg:$0x0]  }
0x2: {  	s1 =	srdreg.scid;
	s3 =	stileid.u32  }
0x3: {  	s4 =	rddreg [dreg:$0x1];
	s11 =	simm.s32 $0x3C00;
	s30 =	simm.s32 $0x1  }
0x4: {  	s31 =	simm.s32 $0xCC00;
	s10 =	simm.s32 $0xF400;
	s12 =	simm.s32 $0xFC00  }
0x5: {  	s13 =	simm.s32 $0x10400;
	s14 =	simm.s32 $0x10C00;
	s15 =	simm.s32 $0x11400  }
0x6: {  	s16 =	simm.s32 $0x11C00;
	s17 =	simm.s32 $0x12400;
	s18 =	simm.s32 $0x12C00  }
0x7: {  	s19 =	simm.s32 $0x13400;
	s20 =	simm.s32 $0x13C00;
	s21 =	simm.s32 $0x14400  }
0x8: {  	s22 =	simm.s32 $0x14C00;
	s23 =	simm.s32 $0x15400;
	s24 =	simm.s32 $0x2  }
0x9: {  	s1 =	sand.u32 $0x1, s1;
	s2 =	sshll.u32 s3, $0x1;
	s3 =	smul.u32 $0x7800, s3  }
0xa: {  	s29 =	simm.s32 $0x0;
	s5 =	sor.u32 s1, s2;
	s6 =	smul.u32 $0x3C00, s1  }
0xb: {  	s2 =	simm.s32 $0x0;
	s1 =	ssub.s32 $0x2, s1;
	s5 =	smul.u32 $0x3C00, s5  }
0xc: {  	[smem:$0x7FF] =	sst s2;
	s7 =	sshrl.u32 s1, $0x1;
	s3 =	sadd.s32 s6, s3  }
0xd: {  	_ =	strace $0x80000047;
	s1 =	ssub.s32 s1, s7;
	s7 =	simm.s32 $0xEC00  }
0xe: {  	s5 =	sshrl.u32 s5, $0x3;
	s6 =	sor.u32 $0x30, s3;
	s25 =	sshrl.u32 s3, $0x3  }
0xf: {  	s3 =	sadd.s32 $0x10000, s0;
	s28 =	smax.u32 s1, $0x1;
	s1 =	simm.s32 $0xD400  }
.Ltmp0:
0x10: {  	s5 =	sadd.s32 s5, s0;
	s6 =	sshrl.u32 s6, $0x3;
	(pc) =	sbr.rel .LBB2_1-.Ltmp0, $4  }
0x11: {  	s26 =	smul.u32 $0x300, s25;
	[dreg:$0x4] =	wrdreg s28;
	s25 =	simm.s32 $0x3  }
0x12: {  	v2 =	vlaneseq.u32;
	s8 =	smul.u32 $0x300, s6;
	s5 =	sadd.s32 $0x1000, s5;
	s6 =	sadd.s32 $0x10200, s0  }
0x13: {  	vm0 =	vmmov $0xffff;
	v1 =	vshrl.u32 v2, $0x3;
	[dreg:$0x3] =	wrdreg s5;
	s5 =	sadd.s32 $0x10100, s0;
	s9 =	sadd.s32 s26, s4  }
0x14: {  	v0 =	vand.u32 $0x7, v2;
	v2 =	vor.u32 $0x8, v2;
	v1 =	vmul.u32 $0x8, v1;
	s0 =	simm.s32 $0xDC00;
	s8 =	sadd.s32 s8, s4;
	s4 =	simm.s32 $0xE400  }
.LBB2_4:
0x15: {  	s28 =	simm.s32 $0x4  }
0x16: {  	_ =	swait.ge [sflag:s28], $0x9000  }
0x17: {  	s29 =	rddreg [dreg:$0x5]  }
0x18: {  	s26 =	rddreg [dreg:$0x4];
	s29 =	sadd.s32 $0x1, s29  }
0x19: {  	p0 =	sne.s32 s29, s26  }
.Ltmp1:
0x1a: {  	_ = 	snop;
	(pc) =	sbr.rel @!p0 .LBB2_5-.Ltmp1, $3  }
0x1b: {  	_ =	sdelay $0x1  }
0x1c: {  	[sflag:s28] =	ssyncset.done $0x0  }
0x1d: {  	[sflag:s28] =	ssyncadd.s32 $0xFFFF7000  }
.LBB2_1:
0x1e: {  	[dreg:$0x5] =	wrdreg s29  }
0x1f: {  	s26 =	rddreg [dreg:$0x3];
	s29 =	simm.s32 $0x5  }
0x20: {  	[tilespmem:s2], [sflag:$0x5] =	stream.linear.gather [hbm4b:s26+s2], $0x3C00, $0x38;
	[tilespmem:$0x15C00] =	vst v63  }
0x21: {  	_ =	swait.ge [sflag:s29], $0x3C00  }
0x22: {  	[sflag:s29] =	ssyncset.done $0x0  }
0x23: {  	[sflag:s29] =	ssyncadd.s32 $0xFFFFC400  }
0x24: {  	v3 =	vld [tilespmem:$0x0];
	_ =	sdelay $0x4  }
0x25: {  	v4 =	vshrl.u32 v3, $0x3  }
0x26: {  	v4 =	vmul.u32 $0x30, v4  }
0x27: {  	v3 =	vand.u32 $0x7, v3  }
0x28: {  	v3 =	vor.u32 v3, v4  }
0x29: {  	v4 =	vperm.xlane v3, v0;
	_ =	sdelay $0x1  }
0x2a: {  	v4 =	vadd.s32 v1, v4;
	_ =	sdelay $0x3  }
0x2b: {  	v3 =	vperm.xlane v3, v2  }
0x2c: {  	[tilespmem:s11], [sflag:$0x1] =	stream.indirect_vreg.gather [hbm4b:s3+s2], $0x80, v4, vm0, $0xb8;
	[tilespmem:$0x15C00] =	vst v63  }
0x2d: {  	s29 =	simm.s32 $0x4400;
	v3 =	vadd.s32 v1, v3  }
0x2e: {  	[tilespmem:s29], [sflag:$0x1] =	stream.indirect_vreg.gather [hbm4b:s5+s2], $0x80, v4, vm0, $0xb8;
	[tilespmem:$0x15C00] =	vst v63  }
0x2f: {  	s29 =	simm.s32 $0x4C00  }
0x30: {  	[tilespmem:s29], [sflag:$0x1] =	stream.indirect_vreg.gather [hbm4b:s6+s2], $0x80, v4, vm0, $0xb8;
	[tilespmem:$0x15C00] =	vst v63  }
0x31: {  	s29 =	simm.s32 $0x5400  }
0x32: {  	[tilespmem:s29], [sflag:$0x1] =	stream.indirect_vreg.gather [hbm4b:s3+s2], $0x80, v3, vm0, $0xb8;
	[tilespmem:$0x15C00] =	vst v63  }
0x33: {  	s29 =	simm.s32 $0x5C00  }
0x34: {  	[tilespmem:s29], [sflag:$0x1] =	stream.indirect_vreg.gather [hbm4b:s5+s2], $0x80, v3, vm0, $0xb8;
	[tilespmem:$0x15C00] =	vst v63  }
0x35: {  	s29 =	simm.s32 $0x6400  }
0x36: {  	[tilespmem:s29], [sflag:$0x1] =	stream.indirect_vreg.gather [hbm4b:s6+s2], $0x80, v3, vm0, $0xb8;
	[tilespmem:$0x15C00] =	vst v63  }
0x37: {  	v3 =	vld [tilespmem:$0x10];
	_ =	sdelay $0x4  }
0x38: {  	v62 =	vshrl.u32 v3, $0x3  }
0x39: {  	v4 =	vmul.u32 $0x30, v62  }
0x3a: {  	v3 =	vand.u32 $0x7, v3  }
0x3b: {  	v3 =	vor.u32 v3, v4  }
0x3c: {  	v4 =	vperm.xlane v3, v0;
	_ =	sdelay $0x1  }
0x3d: {  	v4 =	vadd.s32 v1, v4;
	_ =	sdelay $0x3  }
0x3e: {  	s29 =	simm.s32 $0x6C00;
	v3 =	vperm.xlane v3, v2  }
0x3f: {  	[tilespmem:s29], [sflag:$0x1] =	stream.indirect_vreg.gather [hbm4b:s3+s2], $0x80, v4, vm0, $0xb8;
	[tilespmem:$0x15C00] =	vst v63  }
0x40: {  	v3 =	vadd.s32 v1, v3;
	s29 =	simm.s32 $0x7400  }
0x41: {  	[tilespmem:s29], [sflag:$0x1] =	stream.indirect_vreg.gather [hbm4b:s5+s2], $0x80, v4, vm0, $0xb8;
	[tilespmem:$0x15C00] =	vst v63  }
0x42: {  	s29 =	simm.s32 $0x7C00  }
0x43: {  	[tilespmem:s29], [sflag:$0x1] =	stream.indirect_vreg.gather [hbm4b:s6+s2], $0x80, v4, vm0, $0xb8;
	[tilespmem:$0x15C00] =	vst v63  }
0x44: {  	s29 =	simm.s32 $0x8400  }
0x45: {  	[tilespmem:s29], [sflag:$0x1] =	stream.indirect_vreg.gather [hbm4b:s3+s2], $0x80, v3, vm0, $0xb8;
	[tilespmem:$0x15C00] =	vst v63  }
0x46: {  	s29 =	simm.s32 $0x8C00  }
0x47: {  	[tilespmem:s29], [sflag:$0x1] =	stream.indirect_vreg.gather [hbm4b:s5+s2], $0x80, v3, vm0, $0xb8;
	[tilespmem:$0x15C00] =	vst v63  }
0x48: {  	s29 =	simm.s32 $0x9400  }
0x49: {  	[tilespmem:s29], [sflag:$0x1] =	stream.indirect_vreg.gather [hbm4b:s6+s2], $0x80, v3, vm0, $0xb8;
	[tilespmem:$0x15C00] =	vst v63  }
0x4a: {  	v3 =	vld [tilespmem:$0x20];
	_ =	sdelay $0x4  }
0x4b: {  	v63 =	vshrl.u32 v3, $0x3  }
0x4c: {  	v4 =	vmul.u32 $0x30, v63  }
0x4d: {  	v3 =	vand.u32 $0x7, v3  }
0x4e: {  	v3 =	vor.u32 v3, v4  }
0x4f: {  	v4 =	vperm.xlane v3, v0;
	_ =	sdelay $0x1  }
0x50: {  	v4 =	vadd.s32 v1, v4;
	_ =	sdelay $0x3  }
0x51: {  	s29 =	simm.s32 $0x9C00;
	v3 =	vperm.xlane v3, v2  }
0x52: {  	[tilespmem:s29], [sflag:$0x1] =	stream.indirect_vreg.gather [hbm4b:s3+s2], $0x80, v4, vm0, $0xb8;
	[tilespmem:$0x15C00] =	vst v63  }
0x53: {  	v3 =	vadd.s32 v1, v3;
	s29 =	simm.s32 $0xA400  }
0x54: {  	[tilespmem:s29], [sflag:$0x1] =	stream.indirect_vreg.gather [hbm4b:s5+s2], $0x80, v4, vm0, $0xb8;
	[tilespmem:$0x15C00] =	vst v63  }
0x55: {  	s29 =	simm.s32 $0xAC00  }
0x56: {  	[tilespmem:s29], [sflag:$0x1] =	stream.indirect_vreg.gather [hbm4b:s6+s2], $0x80, v4, vm0, $0xb8;
	[tilespmem:$0x15C00] =	vst v63  }
0x57: {  	s29 =	simm.s32 $0xB400  }
0x58: {  	[tilespmem:s29], [sflag:$0x1] =	stream.indirect_vreg.gather [hbm4b:s3+s2], $0x80, v3, vm0, $0xb8;
	[tilespmem:$0x15C00] =	vst v63  }
0x59: {  	s29 =	simm.s32 $0xBC00  }
0x5a: {  	[tilespmem:s29], [sflag:$0x1] =	stream.indirect_vreg.gather [hbm4b:s5+s2], $0x80, v3, vm0, $0xb8;
	[tilespmem:$0x15C00] =	vst v63  }
0x5b: {  	s28 =	simm.s32 $0x0;
	s26 =	simm.s32 $0x40;
	s29 =	simm.s32 $0xC400  }
0x5c: {  	[tilespmem:s29], [sflag:$0x1] =	stream.indirect_vreg.gather [hbm4b:s6+s2], $0x80, v3, vm0, $0xb8;
	[tilespmem:$0x15C00] =	vst v63  }
.LBB2_2:
0x5d: {  	_ =	swait.ge [sflag:s30], $0x9000  }
0x5e: {  	[sflag:s30] =	ssyncset.done $0x0  }
0x5f: {  	s29 =	sadd.s32 s28, s9;
	p0 =	seq.s32 s28, $0x0;
	[sflag:s30] =	ssyncadd.s32 $0xFFFF7000  }
0x60: {  	[hbm4b:s29+s2] =	stream.linear.scatter [tilespmem:s11], [sflag:$0x3], $0x9000, $0x38;
	[tilespmem:$0x15C00] =	vst v63  }
0x61: {  	s29 =	simm.s32 @!p0 $0x4  }
0x62: {  	_ =	swait.ge @!p0 [sflag:s29], $0x9000  }
0x63: {  	[sflag:s29] =	ssyncset.done @!p0 $0x0  }
0x64: {  	[sflag:s29] =	ssyncadd.s32 @!p0 $0xFFFF7000  }
0x65: {  	v3 =	vld [tilespmem:s26+$0xFFFFFFF0];
	_ =	sdelay $0x4  }
0x66: {  	v4 =	vshrl.u32 v3, $0x3  }
0x67: {  	v4 =	vmul.u32 $0x30, v4  }
0x68: {  	v3 =	vand.u32 $0x7, v3  }
0x69: {  	v3 =	vor.u32 v3, v4  }
0x6a: {  	v4 =	vperm.xlane v3, v0;
	_ =	sdelay $0x1  }
0x6b: {  	v4 =	vadd.s32 v1, v4;
	_ =	sdelay $0x3  }
0x6c: {  	v3 =	vperm.xlane v3, v2  }
0x6d: {  	[tilespmem:s31], [sflag:$0x2] =	stream.indirect_vreg.gather [hbm4b:s3+s2], $0x80, v4, vm0, $0xb8;
	[tilespmem:$0x15C00] =	vst v63  }
0x6e: {  	v3 =	vadd.s32 v1, v3  }
0x6f: {  	[tilespmem:s1], [sflag:$0x2] =	stream.indirect_vreg.gather [hbm4b:s5+s2], $0x80, v4, vm0, $0xb8;
	[tilespmem:$0x15C00] =	vst v63  }
0x70: {  	_ = 	snop  }
0x71: {  	[tilespmem:s0], [sflag:$0x2] =	stream.indirect_vreg.gather [hbm4b:s6+s2], $0x80, v4, vm0, $0xb8;
	[tilespmem:$0x15C00] =	vst v63  }
0x72: {  	_ = 	snop  }
0x73: {  	[tilespmem:s4], [sflag:$0x2] =	stream.indirect_vreg.gather [hbm4b:s3+s2], $0x80, v3, vm0, $0xb8;
	[tilespmem:$0x15C00] =	vst v63  }
0x74: {  	_ = 	snop  }
0x75: {  	[tilespmem:s7], [sflag:$0x2] =	stream.indirect_vreg.gather [hbm4b:s5+s2], $0x80, v3, vm0, $0xb8;
	[tilespmem:$0x15C00] =	vst v63  }
0x76: {  	_ = 	snop  }
0x77: {  	[tilespmem:s10], [sflag:$0x2] =	stream.indirect_vreg.gather [hbm4b:s6+s2], $0x80, v3, vm0, $0xb8;
	[tilespmem:$0x15C00] =	vst v63  }
0x78: {  	v3 =	vld [tilespmem:s26+$0x0];
	_ =	sdelay $0x4  }
0x79: {  	v62 =	vshrl.u32 v3, $0x3  }
0x7a: {  	v4 =	vmul.u32 $0x30, v62  }
0x7b: {  	v3 =	vand.u32 $0x7, v3  }
0x7c: {  	v3 =	vor.u32 v3, v4  }
0x7d: {  	v4 =	vperm.xlane v3, v0;
	_ =	sdelay $0x1  }
0x7e: {  	v4 =	vadd.s32 v1, v4;
	_ =	sdelay $0x3  }
0x7f: {  	v3 =	vperm.xlane v3, v2  }
0x80: {  	[tilespmem:s12], [sflag:$0x2] =	stream.indirect_vreg.gather [hbm4b:s3+s2], $0x80, v4, vm0, $0xb8;
	[tilespmem:$0x15C00] =	vst v63  }
0x81: {  	v3 =	vadd.s32 v1, v3  }
0x82: {  	[tilespmem:s13], [sflag:$0x2] =	stream.indirect_vreg.gather [hbm4b:s5+s2], $0x80, v4, vm0, $0xb8;
	[tilespmem:$0x15C00] =	vst v63  }
0x83: {  	_ = 	snop  }
0x84: {  	[tilespmem:s14], [sflag:$0x2] =	stream.indirect_vreg.gather [hbm4b:s6+s2], $0x80, v4, vm0, $0xb8;
	[tilespmem:$0x15C00] =	vst v63  }
0x85: {  	_ = 	snop  }
0x86: {  	[tilespmem:s15], [sflag:$0x2] =	stream.indirect_vreg.gather [hbm4b:s3+s2], $0x80, v3, vm0, $0xb8;
	[tilespmem:$0x15C00] =	vst v63  }
0x87: {  	_ = 	snop  }
0x88: {  	[tilespmem:s16], [sflag:$0x2] =	stream.indirect_vreg.gather [hbm4b:s5+s2], $0x80, v3, vm0, $0xb8;
	[tilespmem:$0x15C00] =	vst v63  }
0x89: {  	_ = 	snop  }
0x8a: {  	[tilespmem:s17], [sflag:$0x2] =	stream.indirect_vreg.gather [hbm4b:s6+s2], $0x80, v3, vm0, $0xb8;
	[tilespmem:$0x15C00] =	vst v63  }
0x8b: {  	v3 =	vld [tilespmem:s26+$0x10];
	_ =	sdelay $0x4  }
0x8c: {  	v63 =	vshrl.u32 v3, $0x3  }
0x8d: {  	v4 =	vmul.u32 $0x30, v63  }
0x8e: {  	v3 =	vand.u32 $0x7, v3  }
0x8f: {  	v3 =	vor.u32 v3, v4  }
0x90: {  	v4 =	vperm.xlane v3, v0;
	_ =	sdelay $0x1  }
0x91: {  	v4 =	vadd.s32 v1, v4;
	_ =	sdelay $0x3  }
0x92: {  	v3 =	vperm.xlane v3, v2  }
0x93: {  	[tilespmem:s18], [sflag:$0x2] =	stream.indirect_vreg.gather [hbm4b:s3+s2], $0x80, v4, vm0, $0xb8;
	[tilespmem:$0x15C00] =	vst v63  }
0x94: {  	v3 =	vadd.s32 v1, v3  }
0x95: {  	[tilespmem:s19], [sflag:$0x2] =	stream.indirect_vreg.gather [hbm4b:s5+s2], $0x80, v4, vm0, $0xb8;
	[tilespmem:$0x15C00] =	vst v63  }
0x96: {  	_ = 	snop  }
0x97: {  	[tilespmem:s20], [sflag:$0x2] =	stream.indirect_vreg.gather [hbm4b:s6+s2], $0x80, v4, vm0, $0xb8;
	[tilespmem:$0x15C00] =	vst v63  }
0x98: {  	_ = 	snop  }
0x99: {  	[tilespmem:s21], [sflag:$0x2] =	stream.indirect_vreg.gather [hbm4b:s3+s2], $0x80, v3, vm0, $0xb8;
	[tilespmem:$0x15C00] =	vst v63  }
0x9a: {  	_ = 	snop  }
0x9b: {  	[tilespmem:s22], [sflag:$0x2] =	stream.indirect_vreg.gather [hbm4b:s5+s2], $0x80, v3, vm0, $0xb8;
	[tilespmem:$0x15C00] =	vst v63  }
0x9c: {  	_ = 	snop  }
0x9d: {  	[tilespmem:s23], [sflag:$0x2] =	stream.indirect_vreg.gather [hbm4b:s6+s2], $0x80, v3, vm0, $0xb8;
	[tilespmem:$0x15C00] =	vst v63  }
0x9e: {  	_ =	swait.ge [sflag:s24], $0x9000  }
0x9f: {  	p0 =	seq.s32 s28, $0x165C00;
	[sflag:s24] =	ssyncset.done $0x0  }
.Ltmp2:
0xa0: {  	s29 =	sadd.s32 s28, s8;
	[sflag:s24] =	ssyncadd.s32 $0xFFFF7000;
	(pc) =	sbr.rel @p0 .LBB2_4-.Ltmp2, $4  }
0xa1: {  	[hbm4b:s29+s2] =	stream.linear.scatter [tilespmem:s31], [sflag:$0x4], $0x9000, $0x38;
	[tilespmem:$0x15C00] =	vst v63  }
0xa2: {  	_ =	swait.ge [sflag:s25], $0x9000  }
0xa3: {  	[sflag:s25] =	ssyncset.done $0x0  }
0xa4: {  	[sflag:s25] =	ssyncadd.s32 $0xFFFF7000  }
0xa5: {  	v3 =	vld [tilespmem:s26+$0x20];
	_ =	sdelay $0x4  }
0xa6: {  	v4 =	vshrl.u32 v3, $0x3  }
0xa7: {  	v4 =	vmul.u32 $0x30, v4  }
0xa8: {  	v3 =	vand.u32 $0x7, v3  }
0xa9: {  	v3 =	vor.u32 v3, v4  }
0xaa: {  	v4 =	vperm.xlane v3, v0;
	_ =	sdelay $0x1  }
0xab: {  	v4 =	vadd.s32 v1, v4;
	_ =	sdelay $0x3  }
0xac: {  	v3 =	vperm.xlane v3, v2  }
0xad: {  	[tilespmem:s11], [sflag:$0x1] =	stream.indirect_vreg.gather [hbm4b:s3+s2], $0x80, v4, vm0, $0xb8;
	[tilespmem:$0x15C00] =	vst v63  }
0xae: {  	s29 =	simm.s32 $0x4400;
	v3 =	vadd.s32 v1, v3  }
0xaf: {  	[tilespmem:s29], [sflag:$0x1] =	stream.indirect_vreg.gather [hbm4b:s5+s2], $0x80, v4, vm0, $0xb8;
	[tilespmem:$0x15C00] =	vst v63  }
0xb0: {  	s29 =	simm.s32 $0x4C00  }
0xb1: {  	[tilespmem:s29], [sflag:$0x1] =	stream.indirect_vreg.gather [hbm4b:s6+s2], $0x80, v4, vm0, $0xb8;
	[tilespmem:$0x15C00] =	vst v63  }
0xb2: {  	s29 =	simm.s32 $0x5400  }
0xb3: {  	[tilespmem:s29], [sflag:$0x1] =	stream.indirect_vreg.gather [hbm4b:s3+s2], $0x80, v3, vm0, $0xb8;
	[tilespmem:$0x15C00] =	vst v63  }
0xb4: {  	s29 =	simm.s32 $0x5C00  }
0xb5: {  	[tilespmem:s29], [sflag:$0x1] =	stream.indirect_vreg.gather [hbm4b:s5+s2], $0x80, v3, vm0, $0xb8;
	[tilespmem:$0x15C00] =	vst v63  }
0xb6: {  	s29 =	simm.s32 $0x6400  }
0xb7: {  	[tilespmem:s29], [sflag:$0x1] =	stream.indirect_vreg.gather [hbm4b:s6+s2], $0x80, v3, vm0, $0xb8;
	[tilespmem:$0x15C00] =	vst v63  }
0xb8: {  	v3 =	vld [tilespmem:s26+$0x30];
	_ =	sdelay $0x4  }
0xb9: {  	v62 =	vshrl.u32 v3, $0x3  }
0xba: {  	v4 =	vmul.u32 $0x30, v62  }
0xbb: {  	v3 =	vand.u32 $0x7, v3  }
0xbc: {  	v3 =	vor.u32 v3, v4  }
0xbd: {  	v4 =	vperm.xlane v3, v0;
	_ =	sdelay $0x1  }
0xbe: {  	v4 =	vadd.s32 v1, v4;
	_ =	sdelay $0x3  }
0xbf: {  	s29 =	simm.s32 $0x6C00;
	v3 =	vperm.xlane v3, v2  }
0xc0: {  	[tilespmem:s29], [sflag:$0x1] =	stream.indirect_vreg.gather [hbm4b:s3+s2], $0x80, v4, vm0, $0xb8;
	[tilespmem:$0x15C00] =	vst v63  }
0xc1: {  	v3 =	vadd.s32 v1, v3;
	s29 =	simm.s32 $0x7400  }
0xc2: {  	[tilespmem:s29], [sflag:$0x1] =	stream.indirect_vreg.gather [hbm4b:s5+s2], $0x80, v4, vm0, $0xb8;
	[tilespmem:$0x15C00] =	vst v63  }
0xc3: {  	s29 =	simm.s32 $0x7C00  }
0xc4: {  	[tilespmem:s29], [sflag:$0x1] =	stream.indirect_vreg.gather [hbm4b:s6+s2], $0x80, v4, vm0, $0xb8;
	[tilespmem:$0x15C00] =	vst v63  }
0xc5: {  	s29 =	simm.s32 $0x8400  }
0xc6: {  	[tilespmem:s29], [sflag:$0x1] =	stream.indirect_vreg.gather [hbm4b:s3+s2], $0x80, v3, vm0, $0xb8;
	[tilespmem:$0x15C00] =	vst v63  }
0xc7: {  	s29 =	simm.s32 $0x8C00  }
0xc8: {  	[tilespmem:s29], [sflag:$0x1] =	stream.indirect_vreg.gather [hbm4b:s5+s2], $0x80, v3, vm0, $0xb8;
	[tilespmem:$0x15C00] =	vst v63  }
0xc9: {  	s29 =	simm.s32 $0x9400  }
0xca: {  	[tilespmem:s29], [sflag:$0x1] =	stream.indirect_vreg.gather [hbm4b:s6+s2], $0x80, v3, vm0, $0xb8;
	[tilespmem:$0x15C00] =	vst v63  }
0xcb: {  	v3 =	vld [tilespmem:s26+$0x40];
	_ =	sdelay $0x4  }
0xcc: {  	v63 =	vshrl.u32 v3, $0x3  }
0xcd: {  	v4 =	vmul.u32 $0x30, v63  }
0xce: {  	v3 =	vand.u32 $0x7, v3  }
0xcf: {  	v3 =	vor.u32 v3, v4  }
0xd0: {  	v4 =	vperm.xlane v3, v0;
	_ =	sdelay $0x1  }
0xd1: {  	v4 =	vadd.s32 v1, v4;
	_ =	sdelay $0x3  }
0xd2: {  	s29 =	simm.s32 $0x9C00;
	v3 =	vperm.xlane v3, v2  }
0xd3: {  	[tilespmem:s29], [sflag:$0x1] =	stream.indirect_vreg.gather [hbm4b:s3+s2], $0x80, v4, vm0, $0xb8;
	[tilespmem:$0x15C00] =	vst v63  }
0xd4: {  	v3 =	vadd.s32 v1, v3;
	s29 =	simm.s32 $0xA400  }
0xd5: {  	[tilespmem:s29], [sflag:$0x1] =	stream.indirect_vreg.gather [hbm4b:s5+s2], $0x80, v4, vm0, $0xb8;
	[tilespmem:$0x15C00] =	vst v63  }
0xd6: {  	s29 =	simm.s32 $0xAC00  }
0xd7: {  	[tilespmem:s29], [sflag:$0x1] =	stream.indirect_vreg.gather [hbm4b:s6+s2], $0x80, v4, vm0, $0xb8;
	[tilespmem:$0x15C00] =	vst v63  }
0xd8: {  	s29 =	simm.s32 $0xB400  }
0xd9: {  	[tilespmem:s29], [sflag:$0x1] =	stream.indirect_vreg.gather [hbm4b:s3+s2], $0x80, v3, vm0, $0xb8;
	[tilespmem:$0x15C00] =	vst v63  }
.Ltmp3:
0xda: {  	_ = 	snop;
	(pc) =	sbr.rel .LBB2_2-.Ltmp3, $4  }
0xdb: {  	s29 =	simm.s32 $0xBC00  }
0xdc: {  	[tilespmem:s29], [sflag:$0x1] =	stream.indirect_vreg.gather [hbm4b:s5+s2], $0x80, v3, vm0, $0xb8;
	[tilespmem:$0x15C00] =	vst v63  }
0xdd: {  	s28 =	sadd.s32 $0x2400, s28;
	s26 =	sadd.s32 $0x60, s26;
	s29 =	simm.s32 $0xC400  }
0xde: {  	[tilespmem:s29], [sflag:$0x1] =	stream.indirect_vreg.gather [hbm4b:s6+s2], $0x80, v3, vm0, $0xb8;
	[tilespmem:$0x15C00] =	vst v63  }
.LBB2_5:
0xdf: {  	_ =	sfence.sel $0x180000  }
0xe0: {  	[bflag:$0x0] =	sbarrier.arrive $0xFFFF  }
0xe1: {  	_ =	strace $0x90000047  }
0xe2: {  	s0 =	stileid.u32;
	[bflag:$0x2] =	sbarrier.arrive $0xFFFF  }
0xe3: {  	p0 =	sne.s32 s0, $0x0;
	s0 =	rddreg [dreg:$0x2]  }
0xe4: {  	s0 =	sadd.s32 @!p0 $0x100000, s0  }
0xe5: {  	[sflag:s0] =	ssyncadd.tile.s32 @!p0 $0x1;
	_ =	shalt  }
.Lfunc_end2:
_tile_overlayer_lowered:
.L_overlay_start_2:
0xe6: {  	(tag) =	ssettag $0x2  }
0xe7: {  	s0 =	rddreg [dreg:$0x0];
	s2 =	stileid.u32  }
0xe8: {  	s1 =	rddreg [dreg:$0x1];
	p0 =	sne.s32 s2, $0x0  }
0xe9: {  	s3 =	rddreg [dreg:$0x2];
	[bflag:$0x3] =	sbarrier.arrive $0xFFFF;
	s2 =	simm.s32 @!p0 $0x1C05  }
0xea: {  	[timem:s3], [sflag:s2] =	dma.local @!p0 [hbm:s0], s1  }
0xeb: {  	s0 =	simm.s32 @!p0 $0x5  }
0xec: {  	_ =	swait.ge @!p0 [sflag:s0], s1  }
0xed: {  	s1 =	ssub.s32 @!p0 $0x0, s1;
	[sflag:s0] =	ssyncset.done @!p0 $0x0  }
0xee: {  	[sflag:s0] =	ssyncadd.s32 @!p0 s1  }
0xef: {  	[bflag:$0x3] =	sbarrier.arrive $0xFFFF  }
0xf0: {  	_ =	shalt  }

// kernel: sparse-core-data-format-call.cloned.1.call-start
scs
called_computation_lowered:
.L_overlay_start_0:
0x0: {  	s2 =	sld [smem:$0x3FD9]  }
0x1: {  	s3 =	sld [smem:$0x3FFE];
	_ =	sdelay $0x1  }
0x2: {  	s1 =	srdreg.scid  }
0x3: {  	s0 =	sand.u32 $0x1, s1  }
0x4: {  	s18 =	sshll.u32 s0, $0xA;
	s2 =	sadd.s32 s3, s2  }
0x5: {  	s2 =	sadd.s32 s2, s18  }
0x6: {  	[smem:$0x3FC1] =	sst s2  }
0x7: {  	_ = 	snop  }
0x8: {  	s2 =	sld [smem:$0x3FD0];
	(tm) =	ssettm $0x1  }
0x9: {  	s19 =	sld [smem:$0x3FFB];
	_ =	sdelay $0x3  }
0xa: {  	_ =	strace s19  }
0xb: {  	s3 =	sld [smem:$0x3FFC];
	_ =	sdelay $0x3  }
0xc: {  	_ =	strace s3  }
0xd: {  	s3 =	sld [smem:$0x3FFD];
	_ =	sdelay $0x3  }
0xe: {  	_ =	strace s3  }
0xf: {  	_ =	strace $0x8FFFFFFF  }
0x10: {  	s20 =	sld [smem:$0x3FDB];
	_ =	sdelay $0x1  }
0x11: {  	s4 =	simm.s32 $_scs_section_size  }
0x12: {  	s5 =	simm.s32 $_size__tile_overlayer_lowered;
	s6 =	simm.s32 $_tile_overlayer_lowered  }
0x13: {  	s23 =	simm.s32 $0x1BFF;
	s22 =	sshll.u32 s6, $0x1;
	s3 =	sadd.s32 s4, s20  }
0x14: {  	s7 =	simm.s32 $0x0;
	s21 =	sshll.u32 s5, $0x1;
	s5 =	sadd.s32 s22, s3  }
0x15: {  	[timem:s7], [sflag:s23] =	dma.local [hbm:s5], s21  }
0x16: {  	_ =	swait.ge [sflag:s23], s21  }
0x17: {  	s4 =	ssub.s32 $0x0, s21;
	[sflag:s23] =	ssyncset.done $0x0  }
0x18: {  	[sflag:s23] =	ssyncadd.s32 s4;
	_ =	sdelay $0x1  }
0x19: {  	s24 =	simm.s32 $0x1B8B  }
0x1a: {  	_ =	swait.ge [sflag:s24], $0x1  }
0x1b: {  	[sflag:s24] =	ssyncset.done $0x0  }
0x1c: {  	s26 =	simm.s32 $0x1B8E;
	s25 =	sld [smem:$0x3FFE];
	[sflag:s24] =	ssyncadd.s32 $0xFFFFFFFF  }
0x1d: {  	s27 =	simm.s32 $execute0_lowered;
	[smem:$0x3FD2] =	sst s26  }
0x1e: {  	s5 =	sshll.u32 s27, $0x1;
	_ =	strace $0x80000049;
	[dreg:$0x1] =	wrdreg $0xFFFFFFFF  }
0x1f: {  	s28 =	simm.s32 $_size_execute0_lowered;
	s3 =	sadd.s32 s3, s5;
	[dreg:$0x0] =	wrdreg $0x0  }
0x20: {  	s5 =	sshll.u32 s28, $0x1;
	[dreg:$0x2] =	wrdreg s3  }
0x21: {  	[dreg:$0x3] =	wrdreg s5  }
0x22: {  	[dreg:$0x4] =	wrdreg $0xC0  }
0x23: {  	_ =	task [dreg:s7], $0x5FFFF  }
0x24: {  	[dreg:$0x1] =	wrdreg $0xFFFFFFFF  }
0x25: {  	[dreg:$0x0] =	wrdreg $0x60  }
0x26: {  	[dreg:$0x2] =	wrdreg s25  }
0x27: {  	[dreg:$0x3] =	wrdreg s2  }
0x28: {  	[dreg:$0x4] =	wrdreg $0x9  }
0x29: {  	_ =	task.clear_ibuf [dreg:s7], $0x5FFFF;
	_ =	strace $0x90000049  }
0x2a: {  	s29 =	simm.s32 $0x9;
	_ =	strace $0x8000004B  }
0x2b: {  	_ =	swait.ge [sflag:s29], $0x1  }
0x2c: {  	[sflag:s29] =	ssyncadd.s32 $0xFFFFFFFF  }
0x2d: {  	_ =	strace $0x9000004B  }
0x2e: {  	_ =	sfence  }
0x2f: {  	s30 =	sld [smem:$0x0];
	_ =	sdelay $0x2  }
0x30: {  	s31 =	sshll.u32 s1, $0xD;
	s1 =	sshrl.u32 s1, $0x2  }
0x31: {  	s3 =	sand.u32 $0x4000, s31;
	s1 =	sadd.s32 s1, s30  }
0x32: {  	s0 =	sor.u32 s3, s0;
	s1 =	sshll.u32 s1, $0x11  }
0x33: {  	s0 =	sor.u32 s1, s0  }
0x34: {  	s0 =	sadd.s32 $0x8F2B, s0  }
0x35: {  	[sflag:s0] =	ssyncadd.remote.s32 $0x1  }
0x36: {  	_ =	sfence.sel $0xFFFF  }
0x37: {  	[dreg:$0x0] =	wrdreg $0xFFFFFFFF;
	(pc) =	sbr.abs _section_cstart, $3  }
0x38: {  	[dreg:$0x1] =	wrdreg $0xFFFFFFFF  }
0x39: {  	_ =	task.clear_ibuf [dreg:s7], $0x2FFFF;
	_ =	strace $0x9FFFFFFF  }
0x3a: {  	(tm) =	ssettm $0x7FFFFFFF  }
0x3b: {  	_ =	shalt  }
tec
execute0_lowered:
.L_overlay_start_1:
0x0: {  	(tag) =	ssettag $0x1  }
0x1: {  	s0 =	srdreg.scid  }
0x2: {  	s1 =	sshll.u32 s0, $0x4  }
0x3: {  	s6 =	rddreg [dreg:$0x0];
	s0 =	stileid.u32;
	s1 =	sand.u32 $0x10, s1  }
0x4: {  	s3 =	rddreg [dreg:$0x1];
	s1 =	sor.u32 s0, s1  }
0x5: {  	s5 =	simm.s32 $0x1;
	s31 =	simm.s32 $0x2;
	s2 =	sshll.u32 s1, $0x7  }
0x6: {  	s15 =	simm.s32 $0x0;
	s8 =	simm.s32 $0x1800;
	s4 =	ssub.s32 $0x4000, s2  }
0x7: {  	s9 =	simm.s32 $0x0;
	s14 =	simm.s32 $0x0;
	s30 =	sand.u32 $0xF80, s4  }
0x8: {  	s16 =	simm.s32 $0x0;
	s10 =	simm.s32 $0x0;
	p0 =	sne.s32 s30, $0x0  }
.Ltmp0:
0x9: {  	s7 =	sshrl.u32 s4, $0xC;
	s5 =	simm.s32 @!p0 $0x0;
	(pc) =	sbr.rel .LBB1_1-.Ltmp0, $4  }
0xa: {  	s11 =	simm.s32 $0x0;
	s1 =	rddreg [dreg:$0x2];
	s5 =	sadd.s32 s5, s7  }
0xb: {  	_ =	strace $0x8000004A;
	s4 =	simm.s32 $0x1;
	s5 =	smul.u32 $0xB4, s5  }
0xc: {  	s13 =	simm.s32 $0x0;
	s6 =	sadd.s32 $0x1000, s6;
	[sflag:s4] =	ssyncpa.u1 $0x0  }
0xd: {  	s12 =	smov.u32 s2;
	[sflag:s31] =	ssyncpa.u1 $0x0;
	s7 =	sor.u32 $0x1, s5  }
.LBB1_4:
0xe: {  	_ =	sdelay $0x2  }
0xf: {  	s20 =	sshrl.u32 s16, $0x3  }
0x10: {  	[tilespmem:v0+s19+$0xFFFFFFD0 ss:$0x1] =	vst.idx.msk $0xffff, v7;
	s21 =	sshll.u32 s15, $0x3;
	s20 =	smul.u32 $0x1800, s20  }
0x11: {  	v56 =	vld.idx.msk [tilespmem:v1+s18+$0x0 ss:$0x1], $0xffff;
	[tilespmem:v0+s19+$0xFFFFFFE0 ss:$0x1] =	vst.idx.msk $0xffff, v5;
	s27 =	sshll.u32 s16, $0x7;
	s21 =	sand.u32 $0xFFFFFC00, s21  }
0x12: {  	v57 =	vld.idx.msk [tilespmem:v1+s18+$0xFFFFFF90 ss:$0x1], $0xffff;
	[tilespmem:v0+s19+$0xFFFFFFF0 ss:$0x1] =	vst.idx.msk $0xffff, v4;
	s16 =	sand.u32 $0x380, s27;
	s20 =	sadd.s32 s20, s21  }
0x13: {  	v58 =	vld.idx.msk [tilespmem:v1+s18+$0xFFFFFFA0 ss:$0x1], $0xffff;
	[tilespmem:v0+s19+$0x0 ss:$0x1] =	vst.idx.msk $0xffff, v2;
	s28 =	sand.u32 $0x7F, s15;
	s16 =	sor.u32 s16, s20  }
0x14: {  	v59 =	vld.idx.msk [tilespmem:v1+s18+$0xFFFFFFB0 ss:$0x1], $0xffff;
	[tilespmem:v0+s19+$0x10 ss:$0x1] =	vst.idx.msk $0xffff, v3;
	s15 =	sor.u32 s28, s16  }
0x15: {  	v60 =	vld.idx.msk [tilespmem:v1+s18+$0xFFFFFFC0 ss:$0x1], $0xffff;
	[tilespmem:v0+s19+$0x20 ss:$0x1] =	vst.idx.msk $0xffff, v6;
	s29 =	smulhi.u32 $0xAAAAAAAB, s15  }
0x16: {  	v61 =	vld.idx.msk [tilespmem:v1+s18+$0xFFFFFFD0 ss:$0x1], $0xffff;
	[tilespmem:v0+s18+$0x30 ss:$0x1] =	vst.idx.msk $0xffff, v56;
	s16 =	smulhi.u32 $0xAAAAAAAB, s16  }
0x17: {  	v62 =	vld.idx.msk [tilespmem:v1+s18+$0xFFFFFFE0 ss:$0x1], $0xffff;
	[tilespmem:v0+s18+$0xFFFFFFC0 ss:$0x1] =	vst.idx.msk $0xffff, v57;
	s19 =	sshrl.u32 s29, $0x9  }
0x18: {  	v63 =	vld.idx.msk [tilespmem:v1+s18+$0xFFFFFFF0 ss:$0x1], $0xffff;
	[tilespmem:v0+s18+$0xFFFFFFD0 ss:$0x1] =	vst.idx.msk $0xffff, v58;
	s16 =	sshrl.u32 s16, $0x9;
	s19 =	smul.u32 $0x300, s19  }
0x19: {  	s14 =	smul.u32 $0x180000, s14;
	[tilespmem:v0+s18+$0xFFFFFFE0 ss:$0x1] =	vst.idx.msk $0xffff, v59;
	s16 =	sand.u32 $0x3FFF, s16  }
0x1a: {  	[tilespmem:v0+s18+$0xFFFFFFF0 ss:$0x1] =	vst.idx.msk $0xffff, v60;
	s16 =	smul.u32 $0x60, s16;
	s15 =	ssub.s32 s15, s19  }
0x1b: {  	s14 =	sadd.s32 s3, s14;
	[tilespmem:v0+s18+$0x0 ss:$0x1] =	vst.idx.msk $0xffff, v61;
	s19 =	sand.u32 $0x7, s15  }
0x1c: {  	[tilespmem:v0+s18+$0x10 ss:$0x1] =	vst.idx.msk $0xffff, v62;
	s14 =	sadd.s32 s16, s14;
	s15 =	sshrl.u32 s15, $0x3;
	s30 =	sshll.u32 s19, $0x12  }
0x1d: {  	[tilespmem:v0+s18+$0x20 ss:$0x1] =	vst.idx.msk $0xffff, v63;
	s14 =	sadd.s32 s15, s14;
	s31 =	sor.u32 $0x400, s30  }
0x1e: {  	[hbm4b:s14+s31] =	stream.strided.scatter [tilespmem:s17], [sflag:$0x2], $0x4000, s8, s31, $0x38;
	[tilespmem:$0x10000] =	vst v63  }
.LBB1_5:
0x1f: {  	s17 =	sadd.s32 $0x80, s10  }
0x20: {  	s14 =	simm.s32 $0x1;
	p1 =	sgt.s32 s17, $0x2FF  }
0x21: {  	s14 =	simm.s32 @!p1 $0x0  }
0x22: {  	s18 =	sadd.s32 s14, s11  }
0x23: {  	s20 =	smov.u32 s12;
	s14 =	sadd.s32 $0x1000, s12;
	p2 =	sgt.s32 s18, $0x1D  }
0x24: {  	s20 =	smov.u32 @p2 s14  }
0x25: {  	s17 =	simm.s32 @p1 $0x0;
	p1 =	sgt.s32 s20, $0x3FFF  }
0x26: {  	p0 =	slt.u32 s13, $0x2;
	s20 =	smov.u32 @p1 s2;
	p1 =	sne.s32 s13, s7  }
.Ltmp1:
0x27: {  	s19 =	simm.s32 @!p0 $0x2;
	(pc) =	sbr.rel @!p1 .LBB1_6-.Ltmp1, $4  }
0x28: {  	s15 =	smov.u32 s10;
	s16 =	smov.u32 s12;
	_ =	swait.ge @!p0 [sflag:s19], $0x4000  }
0x29: {  	s9 =	sadd.s32 $0x4000, s9;
	[sflag:s19] =	ssyncset.done @!p0 $0x0;
	s10 =	smov.u32 s17  }
0x2a: {  	[sflag:s19] =	ssyncadd.s32 @!p0 $0xFFFFC000;
	s18 =	simm.s32 @p2 $0x0;
	s14 =	smov.u32 s11  }
0x2b: {  	s11 =	smov.u32 s18;
	s13 =	sadd.s32 $0x1, s13;
	s12 =	smov.u32 s20  }
.LBB1_1:
0x2c: {  	p0 =	sge.u32 s13, s5  }
0x2d: {  	s17 =	sshrl.u32 @!p0 s11, $0x3  }
0x2e: {  	s18 =	sshll.u32 @!p0 s10, $0x3;
	s17 =	smul.u32 @!p0 $0x1800, s17  }
0x2f: {  	s19 =	sshll.u32 @!p0 s11, $0x7;
	s18 =	sand.u32 @!p0 $0xFFFFFC00, s18  }
0x30: {  	s17 =	sadd.s32 @!p0 s17, s18;
	s18 =	sand.u32 @!p0 $0x380, s19  }
0x31: {  	s19 =	sand.u32 @!p0 $0x7F, s10;
	s17 =	sor.u32 @!p0 s18, s17  }
0x32: {  	s18 =	sor.u32 @!p0 s19, s17  }
0x33: {  	s19 =	smulhi.u32 @!p0 $0xAAAAAAAB, s18  }
0x34: {  	s17 =	smulhi.u32 @!p0 $0xAAAAAAAB, s17  }
0x35: {  	s19 =	sshrl.u32 @!p0 s19, $0x9  }
0x36: {  	s31 =	sadd.s32 $0xFFFFFFFF, s13;
	s17 =	sshrl.u32 @!p0 s17, $0x9;
	s19 =	smul.u32 @!p0 $0x300, s19  }
0x37: {  	s20 =	sxor.u32 @!p0 $0xFFFFFFFF, s13;
	s21 =	smul.u32 @!p0 $0xC00, s12;
	s17 =	sand.u32 @!p0 $0x1F, s17  }
0x38: {  	s20 =	sshll.u32 @!p0 s20, $0xE;
	s17 =	smul.u32 @!p0 $0x60, s17;
	s18 =	ssub.s32 @!p0 s18, s19  }
0x39: {  	s19 =	sand.u32 @!p0 $0x4000, s20;
	s20 =	sadd.s32 @!p0 s6, s21;
	s21 =	sand.u32 @!p0 $0x7, s18  }
0x3a: {  	s18 =	sshrl.u32 @!p0 s18, $0x3;
	s17 =	sadd.s32 @!p0 s17, s20;
	s20 =	sshll.u32 @!p0 s21, $0x12  }
0x3b: {  	s17 =	sadd.s32 @!p0 s18, s17;
	s18 =	sor.u32 @!p0 $0x80, s20;
	s20 =	simm.s32 @!p0 $0x6000  }
0x3c: {  	[tilespmem:s19], [sflag:$0x1] =	stream.strided.gather @!p0 [hbm4b:s17+s18], $0x4000, s20, s18, $0x38;
	[tilespmem:$0x10000] =	vst v63  }
0x3d: {  	p0 =	sge.u32 s31, s5  }
.Ltmp2:
0x3e: {  	_ = 	snop;
	(pc) =	sbr.rel @p0 .LBB1_5-.Ltmp2, $1  }
0x3f: {  	_ =	sdelay $0x3  }
0x40: {  	s17 =	sand.u32 $0x4000, s9  }
0x41: {  	s18 =	sor.u32 $0x70, s17  }
0x42: {  	v1 =	vmov s18;
	_ =	sdelay $0x1  }
0x43: {  	_ =	swait.ge [sflag:s4], $0x4000  }
0x44: {  	[sflag:s4] =	ssyncset.done $0x0  }
0x45: {  	s19 =	simm.s32 $0x0;
	[sflag:s4] =	ssyncadd.s32 $0xFFFFC000  }
0x46: {  	s17 =	sor.u32 $0x8040, s17;
	v6 =	vld.idx.msk [tilespmem:v1+s19+$0x0 ss:$0x1], $0xffff  }
0x47: {  	v0 =	vmov s17;
	v8 =	vld.idx.msk [tilespmem:v1+s19+$0xFFFFFF90 ss:$0x1], $0xffff  }
0x48: {  	v7 =	vld.idx.msk [tilespmem:v1+s19+$0xFFFFFFA0 ss:$0x1], $0xffff  }
0x49: {  	v5 =	vld.idx.msk [tilespmem:v1+s19+$0xFFFFFFB0 ss:$0x1], $0xffff  }
0x4a: {  	v4 =	vld.idx.msk [tilespmem:v1+s19+$0xFFFFFFC0 ss:$0x1], $0xffff  }
0x4b: {  	s31 =	sshll.u32 s13, $0xE;
	v2 =	vld.idx.msk [tilespmem:v1+s19+$0xFFFFFFD0 ss:$0x1], $0xffff  }
0x4c: {  	s17 =	sand.u32 $0x4000, s31;
	v3 =	vld.idx.msk [tilespmem:v1+s19+$0xFFFFFFE0 ss:$0x1], $0xffff;
	[tilespmem:v0+s19+$0x30 ss:$0x1] =	vst.idx.msk $0xffff, v6  }
0x4d: {  	s20 =	simm.s32 $0x400;
	s18 =	simm.s32 $0x80;
	s17 =	sor.u32 $0x8000, s17;
	[tilespmem:v0+s19+$0xFFFFFFC0 ss:$0x1] =	vst.idx.msk $0xffff, v8;
	v6 =	vld.idx.msk [tilespmem:v1+s19+$0xFFFFFFF0 ss:$0x1], $0xffff  }
.LBB1_3:
0x4e: {  	p0 =	sne.s32 s20, $0xFE00;
	v8 =	vld.idx.msk [tilespmem:v1+s18+$0x0 ss:$0x1], $0xffff;
	[tilespmem:v0+s19+$0xFFFFFFD0 ss:$0x1] =	vst.idx.msk $0xffff, v7  }
0x4f: {  	v9 =	vld.idx.msk [tilespmem:v1+s18+$0xFFFFFF90 ss:$0x1], $0xffff;
	[tilespmem:v0+s19+$0xFFFFFFE0 ss:$0x1] =	vst.idx.msk $0xffff, v5  }
0x50: {  	v7 =	vld.idx.msk [tilespmem:v1+s18+$0xFFFFFFA0 ss:$0x1], $0xffff;
	[tilespmem:v0+s19+$0xFFFFFFF0 ss:$0x1] =	vst.idx.msk $0xffff, v4  }
.Ltmp3:
0x51: {  	v5 =	vld.idx.msk [tilespmem:v1+s18+$0xFFFFFFB0 ss:$0x1], $0xffff;
	[tilespmem:v0+s19+$0x0 ss:$0x1] =	vst.idx.msk $0xffff, v2;
	(pc) =	sbr.rel @p0 .LBB1_3-.Ltmp3, $4  }
0x52: {  	v4 =	vld.idx.msk [tilespmem:v1+s18+$0xFFFFFFC0 ss:$0x1], $0xffff;
	[tilespmem:v0+s19+$0x10 ss:$0x1] =	vst.idx.msk $0xffff, v3  }
0x53: {  	v2 =	vld.idx.msk [tilespmem:v1+s18+$0xFFFFFFD0 ss:$0x1], $0xffff;
	[tilespmem:v0+s19+$0x20 ss:$0x1] =	vst.idx.msk $0xffff, v6;
	s19 =	smov.u32 s18  }
0x54: {  	v3 =	vld.idx.msk [tilespmem:v1+s19+$0xFFFFFFE0 ss:$0x1], $0xffff;
	[tilespmem:v0+s19+$0x30 ss:$0x1] =	vst.idx.msk $0xffff, v8  }
0x55: {  	s18 =	sshra.s32 s20, $0x2;
	s20 =	sadd.s32 $0x200, s20;
	[tilespmem:v0+s19+$0xFFFFFFC0 ss:$0x1] =	vst.idx.msk $0xffff, v9;
	v6 =	vld.idx.msk [tilespmem:v1+s19+$0xFFFFFFF0 ss:$0x1], $0xffff  }
.Ltmp4:
0x56: {  	_ = 	snop;
	(pc) =	sbr.rel .LBB1_4-.Ltmp4, $1  }
0x57: {  	_ =	sdelay $0x3  }
.LBB1_6:
0x58: {  	_ =	sfence.sel $0x180000  }
0x59: {  	s2 =	simm.s32 $0x1;
	[bflag:$0x0] =	sbarrier.arrive $0xFFFF  }
0x5a: {  	s31 =	simm.s32 $0x2;
	[sflag:s2] =	ssyncpa.u1 $0x1  }
0x5b: {  	[sflag:s31] =	ssyncpa.u1 $0x1  }
0x5c: {  	p0 =	sne.s32 s0, $0x0;
	_ =	strace $0x9000004A  }
0x5d: {  	s0 =	sadd.s32 @!p0 $0x100000, s1;
	[bflag:$0x2] =	sbarrier.arrive $0xFFFF  }
0x5e: {  	[sflag:s0] =	ssyncadd.tile.s32 @!p0 $0x1;
	_ =	shalt  }
.Lfunc_end1:
_tile_overlayer_lowered:
.L_overlay_start_2:
0x5f: {  	(tag) =	ssettag $0x2  }
0x60: {  	s0 =	rddreg [dreg:$0x0];
	s2 =	stileid.u32  }
0x61: {  	s1 =	rddreg [dreg:$0x1];
	p0 =	sne.s32 s2, $0x0  }
0x62: {  	s3 =	rddreg [dreg:$0x2];
	[bflag:$0x3] =	sbarrier.arrive $0xFFFF;
	s2 =	simm.s32 @!p0 $0x1C01  }
0x63: {  	[timem:s3], [sflag:s2] =	dma.local @!p0 [hbm:s0], s1  }
0x64: {  	s0 =	simm.s32 @!p0 $0x1  }
0x65: {  	_ =	swait.ge @!p0 [sflag:s0], s1  }
0x66: {  	s1 =	ssub.s32 @!p0 $0x0, s1;
	[sflag:s0] =	ssyncset.done @!p0 $0x0  }
0x67: {  	[sflag:s0] =	ssyncadd.s32 @!p0 s1  }
0x68: {  	[bflag:$0x3] =	sbarrier.arrive $0xFFFF  }
0x69: {  	_ =	shalt  }

</sc_bundles>
